<compile_context>
chip_gen: v7x
topology: tpu7x:2x2x1
jax: 0.10.2.dev20260603
libtpu: 0.0.44.dev20260713+nightly
codegen_flags: <defaults>
</compile_context>

<pallas_src>
import functools

import jax
import jax.numpy as jnp
from jax import lax
from jax.experimental import pallas as pl
from jax.experimental.pallas import tpu as pltpu
from jax.experimental.pallas import tpu_sc as plsc

B, S, H, E, TOP_K = 1, 2048, 1024, 8, 2
F = 4 * H

BM = 256
NB = (S * TOP_K) // BM + E
N_SLOTS = NB * BM
RCH = 512
NCH = (S * TOP_K) // RCH

NP = S * TOP_K
NS = 16
CHUNK = NP // NS
HC = CHUNK // 2
SLOT_CH = N_SLOTS // NS


def _scatter_sc(pos_hbm, wf_hbm,
                rows_hbm, wv_hbm,
                pos_a, pos_b, wv_a, wv_b, rv_a, rv_b,
                zb_ref, zbf_ref, sh_rows, sh_wv):
    wid = lax.axis_index("s")
    lanes = lax.iota(jnp.int32, 16)

    pltpu.sync_copy(pos_hbm.at[pl.ds(wid * CHUNK, HC)], pos_a)
    pltpu.sync_copy(pos_hbm.at[pl.ds(wid * CHUNK + HC, HC)], pos_b)
    pltpu.sync_copy(wf_hbm.at[pl.ds(wid * CHUNK, HC)], wv_a)
    pltpu.sync_copy(wf_hbm.at[pl.ds(wid * CHUNK + HC, HC)], wv_b)

    for v in range(HC // 16):
        j0 = wid * CHUNK + v * 16
        rv_a[pl.ds(v * 16, 16)] = (j0 + lanes) >> 1
        rv_b[pl.ds(v * 16, 16)] = (j0 + HC + lanes) >> 1

    for v in range(SLOT_CH // 16):
        zb_ref[pl.ds(v * 16, 16)] = jnp.zeros((16,), jnp.int32)
        zbf_ref[pl.ds(v * 16, 16)] = jnp.zeros((16,), jnp.float32)
    pltpu.sync_copy(zb_ref, sh_rows.at[pl.ds(wid * SLOT_CH, SLOT_CH)])
    pltpu.sync_copy(zbf_ref, sh_wv.at[pl.ds(wid * SLOT_CH, SLOT_CH)])
    plsc.subcore_barrier()

    pltpu.sync_copy(rv_a, sh_rows.at[pos_a], add=True)
    pltpu.sync_copy(rv_b, sh_rows.at[pos_b], add=True)
    pltpu.sync_copy(wv_a, sh_wv.at[pos_a], add=True)
    pltpu.sync_copy(wv_b, sh_wv.at[pos_b], add=True)
    plsc.subcore_barrier()

    pltpu.sync_copy(sh_rows.at[pl.ds(wid * SLOT_CH, SLOT_CH)],
                    rows_hbm.at[pl.ds(wid * SLOT_CH, SLOT_CH)])
    pltpu.sync_copy(sh_wv.at[pl.ds(wid * SLOT_CH, SLOT_CH)],
                    wv_hbm.at[pl.ds(wid * SLOT_CH, SLOT_CH)])


_scatter = functools.partial(
    pl.kernel,
    out_type=(
        jax.ShapeDtypeStruct((N_SLOTS,), jnp.int32),
        jax.ShapeDtypeStruct((N_SLOTS,), jnp.float32),
    ),
    mesh=plsc.VectorSubcoreMesh(
        core_axis_name="c", subcore_axis_name="s", num_cores=1),
    scratch_types=(
        pltpu.VMEM((HC,), jnp.int32),
        pltpu.VMEM((HC,), jnp.int32),
        pltpu.VMEM((HC,), jnp.float32),
        pltpu.VMEM((HC,), jnp.float32),
        pltpu.VMEM((HC,), jnp.int32),
        pltpu.VMEM((HC,), jnp.int32),
        pltpu.VMEM((SLOT_CH,), jnp.int32),
        pltpu.VMEM((SLOT_CH,), jnp.float32),
        pltpu.VMEM_SHARED((N_SLOTS,), jnp.int32),
        pltpu.VMEM_SHARED((N_SLOTS,), jnp.float32),
    ),
)(_scatter_sc)


def _moe_block_kernel(eids_ref, rows_ref, nact_ref,
                      x_ref, w1_ref, b1_ref, w2_ref, b2_ref, wmat_ref,
                      out_ref, xg_ref, yacc_ref):
    b = pl.program_id(0)

    @pl.when(b == 0)
    def _init_out():
        out_ref[...] = jnp.zeros_like(out_ref)

    @pl.when(b < nact_ref[0])
    def _active():
        def gather(i, _):
            r = rows_ref[b * BM + i]
            xg_ref[pl.ds(i, 1), :] = x_ref[pl.ds(r, 1), :]
            return 0
        lax.fori_loop(0, BM, gather, 0, unroll=16)

        h = lax.dot_general(
            xg_ref[...].astype(jnp.bfloat16), w1_ref[0],
            (((1,), (1,)), ((), ())), preferred_element_type=jnp.float32)
        h = h + b1_ref[0, 0]
        h = 0.5 * h * (1.0 + lax.erf(h * 0.7071067811865476))
        y = lax.dot_general(
            h.astype(jnp.bfloat16), w2_ref[0],
            (((1,), (1,)), ((), ())), preferred_element_type=jnp.float32)
        yacc_ref[...] = (y + b2_ref[0]) * wmat_ref[0][:, 0:1]

        def scatter(i, _):
            r = rows_ref[b * BM + i]
            out_ref[pl.ds(r, 1), :] += yacc_ref[pl.ds(i, 1), :]
            return 0
        lax.fori_loop(0, BM, scatter, 0, unroll=16)


@functools.partial(jax.jit, static_argnums=())
def kernel(x, Wg, W1, b1, W2, b2):
    logits = jnp.einsum('bsh,eh->bse', jax.lax.stop_gradient(x), Wg)
    probs = jax.nn.softmax(logits, axis=-1)
    top_k_weights, top_k_indices = jax.lax.top_k(probs, TOP_K)

    e_flat = top_k_indices.reshape(NP).astype(jnp.int32)
    w_flat = top_k_weights.reshape(NP)
    onehot = (e_flat[:, None] == jnp.arange(E, dtype=jnp.int32)[None, :]
              ).astype(jnp.float32)
    ohc = onehot.reshape(NCH, RCH, E)
    ii = jax.lax.broadcasted_iota(jnp.int32, (RCH, RCH), 0)
    jj = jax.lax.broadcasted_iota(jnp.int32, (RCH, RCH), 1)
    ltri = (ii > jj).astype(jnp.float32)
    local_rank = jnp.einsum('ij,cje->cie', ltri, ohc,
                            preferred_element_type=jnp.float32)
    chunk_tot = ohc.sum(axis=1)
    chunk_pfx = jnp.concatenate(
        [jnp.zeros((1, E), jnp.float32), jnp.cumsum(chunk_tot[:-1], axis=0)])
    rank = (local_rank + chunk_pfx[:, None, :]).reshape(NP, E)
    counts = chunk_tot.sum(axis=0)
    bpe = jnp.ceil(counts / BM)
    block_start = jnp.concatenate(
        [jnp.zeros((1,), jnp.float32), jnp.cumsum(bpe)[:-1]])
    nactive = (block_start[E - 1] + bpe[E - 1]).astype(jnp.int32)
    slot_start = block_start * BM
    pos = ((slot_start[None, :] + rank) * onehot).sum(axis=1).astype(jnp.int32)
    eids = (jnp.arange(NB, dtype=jnp.float32)[:, None]
            >= block_start[None, 1:]).sum(axis=1).astype(jnp.int32)

    rows, wvals = _scatter(pos, w_flat)
    wmat = jnp.broadcast_to(
        wvals.reshape(NB, BM)[:, :, None], (NB, BM, 128))

    x2 = x.reshape(S, H)
    W1b = W1.astype(jnp.bfloat16)
    W2b = W2.astype(jnp.bfloat16)
    b1r = b1.reshape(E, 1, F)
    b2r = b2.reshape(E, 1, H)

    grid_spec = pltpu.PrefetchScalarGridSpec(
        num_scalar_prefetch=3,
        grid=(NB,),
        in_specs=[
            pl.BlockSpec((S, H), lambda b, eids, rows, nact: (0, 0)),
            pl.BlockSpec((1, F, H), lambda b, eids, rows, nact: (eids[b], 0, 0)),
            pl.BlockSpec((1, 1, F), lambda b, eids, rows, nact: (eids[b], 0, 0)),
            pl.BlockSpec((1, H, F), lambda b, eids, rows, nact: (eids[b], 0, 0)),
            pl.BlockSpec((1, 1, H), lambda b, eids, rows, nact: (eids[b], 0, 0)),
            pl.BlockSpec((1, BM, 128), lambda b, eids, rows, nact: (b, 0, 0)),
        ],
        out_specs=pl.BlockSpec((S, H), lambda b, eids, rows, nact: (0, 0)),
        scratch_shapes=[
            pltpu.VMEM((BM, H), jnp.float32),
            pltpu.VMEM((BM, H), jnp.float32),
        ],
    )

    out = pl.pallas_call(
        _moe_block_kernel,
        grid_spec=grid_spec,
        out_shape=jax.ShapeDtypeStruct((S, H), jnp.float32),
        compiler_params=pltpu.CompilerParams(
            dimension_semantics=("arbitrary",),
            vmem_limit_bytes=63 * 1024 * 1024,
        ),
    )(eids, rows, nactive.reshape(1), x2, W1b, b1r, W2b, b2r, wmat)

    return out.reshape(B, S, H)

# --- scband reference (transcript-rebuilt; emitter-appended) ---
"""Pipeline reference for scband-mo-emodel-47296179863618 (READ-ONLY COPY).

The authoritative reference and input builder live on the scoring server;
editing this copy changes nothing except your own understanding.
"""

import jax, jax.numpy as jnp
import numpy as np

B, S, H, E, TOP_K = 1, 2048, 1024, 8, 2
F = 4 * H


def setup_inputs(seed: int = 0) -> dict:
    key = jax.random.key(seed)
    ks = jax.random.split(key, 6)
    x = jax.random.normal(ks[0], (B, S, H), dtype=jnp.float32)
    Wg = jax.random.normal(ks[1], (E, H), dtype=jnp.float32) * 0.02
    W1 = jax.random.normal(ks[2], (E, F, H), dtype=jnp.float32) * 0.02
    b1 = jnp.zeros((E, F), dtype=jnp.float32)
    W2 = jax.random.normal(ks[3], (E, H, F), dtype=jnp.float32) * 0.02
    b2 = jnp.zeros((E, H), dtype=jnp.float32)
    return {"x": x, "Wg": Wg, "W1": W1, "b1": b1, "W2": W2, "b2": b2}


def reference(x, Wg, W1, b1, W2, b2):
    # Gate on detached x (torch: self.gate(x.detach()))
    logits = jnp.einsum('bsh,eh->bse', jax.lax.stop_gradient(x), Wg)
    probs = jax.nn.softmax(logits, axis=-1)
    top_k_weights, top_k_indices = jax.lax.top_k(probs, TOP_K)  # (B,S,K)
    # Run ALL experts densely (torch loops over self.experts and stacks on dim=2)
    # Expert: Linear(H,4H) -> GELU(exact) -> Dropout(eval: identity) -> Linear(4H,H)
    h1 = jnp.einsum('bsh,efh->bsef', x, W1) + b1          # (B,S,E,4H)
    h1 = jax.nn.gelu(h1, approximate=False)
    expert_outputs = jnp.einsum('bsef,ehf->bseh', h1, W2) + b2  # (B,S,E,H)
    # Gather the top-k experts' outputs per token and combine with gate weights
    selected = jnp.take_along_axis(expert_outputs, top_k_indices[..., None], axis=2)  # (B,S,K,H)
    output = (selected * top_k_weights[..., None]).sum(axis=2)  # (B,S,H)
    # Balance (entropy) loss computed as a side statistic in torch; forward returns output only
    expert_usage = probs.mean(axis=(0, 1))
    _balance_loss = -(expert_usage * jnp.log(expert_usage + 1e-12)).sum()
    return output

if __name__ == "__main__":
    import jax
    _d = setup_inputs()
    print(jax.jit(kernel)(*tuple(_d.values())))

</pallas_src>

<mosaic_0001>
#map = affine_map<(d0, d1) -> (0)>
module attributes {stable_mosaic.version = 14 : i64} {
  func.func @_scatter_sc(%arg0: i32, %arg1: i32, %arg2: memref<4096xi32, #tpu.memory_space<hbm>>, %arg3: memref<4096xf32, #tpu.memory_space<hbm>>, %arg4: memref<6144xi32, #tpu.memory_space<hbm>>, %arg5: memref<6144xf32, #tpu.memory_space<hbm>>, %arg6: memref<128xi32, #tpu.memory_space<vmem>>, %arg7: memref<128xi32, #tpu.memory_space<vmem>>, %arg8: memref<128xf32, #tpu.memory_space<vmem>>, %arg9: memref<128xf32, #tpu.memory_space<vmem>>, %arg10: memref<128xi32, #tpu.memory_space<vmem>>, %arg11: memref<128xi32, #tpu.memory_space<vmem>>, %arg12: memref<384xi32, #tpu.memory_space<vmem>>, %arg13: memref<384xf32, #tpu.memory_space<vmem>>, %arg14: memref<6144xi32, #tpu.memory_space<vmem_shared>>, %arg15: memref<6144xf32, #tpu.memory_space<vmem_shared>>) attributes {dimension_semantics = [#tpu.dimension_semantics<core_parallel>, #tpu.dimension_semantics<subcore_parallel>], iteration_bounds = array<i64: 1, 16>, scalar_prefetch = 0 : i64, scratch_operands = 10 : i64, tpu.core_type = #tpu.core_type<sc_vector_subcore>, window_params = [{transform_indices = #map}, {transform_indices = #map}, {transform_indices = #map}, {transform_indices = #map}]} {
    %iota3A = tpu.iota {dimensions = array<i32: 0>} : vector<16xi32>
    %mul3A = arith.constant 256 : i32
    %mul3A_0 = arith.muli %arg1, %mul3A : i32
    "tpu.region"() ({
      %run_scoped3A = tpu.sem_alloc : memref<!tpu.dma_semaphore, #tpu.memory_space<semaphore_mem>>
      %dma_start3A = tpu.memref_slice %arg2[%mul3A_0] : memref<4096xi32, #tpu.memory_space<hbm>> -> memref<128xi32, #tpu.memory_space<hbm>>
      %dma_start3A_500 = tpu.memref_slice %arg2[%mul3A_0] : memref<4096xi32, #tpu.memory_space<hbm>> -> memref<128xi32, #tpu.memory_space<hbm>>
      tpu.enqueue_dma source(%dma_start3A_500 : memref<128xi32, #tpu.memory_space<hbm>>) target(%arg6 : memref<128xi32, #tpu.memory_space<vmem>>) target_semaphore(%run_scoped3A : memref<!tpu.dma_semaphore, #tpu.memory_space<semaphore_mem>>)
      %dma_wait3A = tpu.memref_slice %arg2[%mul3A_0] : memref<4096xi32, #tpu.memory_space<hbm>> -> memref<128xi32, #tpu.memory_space<hbm>>
      %dma_wait3A_501 = tpu.memref_slice %arg2[%mul3A_0] : memref<4096xi32, #tpu.memory_space<hbm>> -> memref<128xi32, #tpu.memory_space<hbm>>
      tpu.wait_dma2 semaphore(%run_scoped3A : memref<!tpu.dma_semaphore, #tpu.memory_space<semaphore_mem>>) src(%dma_wait3A_501 : memref<128xi32, #tpu.memory_space<hbm>>) dst(%arg6 : memref<128xi32, #tpu.memory_space<vmem>>)
      tpu.yield
    }) : () -> ()
    %mul3A_1 = arith.constant 256 : i32
    %mul3A_2 = arith.muli %arg1, %mul3A_1 : i32
    %add3A = arith.constant 128 : i32
    %add3A_3 = arith.addi %mul3A_2, %add3A : i32
    "tpu.region"() ({
      %run_scoped3A = tpu.sem_alloc : memref<!tpu.dma_semaphore, #tpu.memory_space<semaphore_mem>>
      %dma_start3A = tpu.memref_slice %arg2[%add3A_3] : memref<4096xi32, #tpu.memory_space<hbm>> -> memref<128xi32, #tpu.memory_space<hbm>>
      %dma_start3A_500 = tpu.memref_slice %arg2[%add3A_3] : memref<4096xi32, #tpu.memory_space<hbm>> -> memref<128xi32, #tpu.memory_space<hbm>>
      tpu.enqueue_dma source(%dma_start3A_500 : memref<128xi32, #tpu.memory_space<hbm>>) target(%arg7 : memref<128xi32, #tpu.memory_space<vmem>>) target_semaphore(%run_scoped3A : memref<!tpu.dma_semaphore, #tpu.memory_space<semaphore_mem>>)
      %dma_wait3A = tpu.memref_slice %arg2[%add3A_3] : memref<4096xi32, #tpu.memory_space<hbm>> -> memref<128xi32, #tpu.memory_space<hbm>>
      %dma_wait3A_501 = tpu.memref_slice %arg2[%add3A_3] : memref<4096xi32, #tpu.memory_space<hbm>> -> memref<128xi32, #tpu.memory_space<hbm>>
      tpu.wait_dma2 semaphore(%run_scoped3A : memref<!tpu.dma_semaphore, #tpu.memory_space<semaphore_mem>>) src(%dma_wait3A_501 : memref<128xi32, #tpu.memory_space<hbm>>) dst(%arg7 : memref<128xi32, #tpu.memory_space<vmem>>)
      tpu.yield
    }) : () -> ()
    %mul3A_4 = arith.constant 256 : i32
    %mul3A_5 = arith.muli %arg1, %mul3A_4 : i32
    "tpu.region"() ({
      %run_scoped3A = tpu.sem_alloc : memref<!tpu.dma_semaphore, #tpu.memory_space<semaphore_mem>>
      %dma_start3A = tpu.memref_slice %arg3[%mul3A_5] : memref<4096xf32, #tpu.memory_space<hbm>> -> memref<128xf32, #tpu.memory_space<hbm>>
      %dma_start3A_500 = tpu.memref_slice %arg3[%mul3A_5] : memref<4096xf32, #tpu.memory_space<hbm>> -> memref<128xf32, #tpu.memory_space<hbm>>
      tpu.enqueue_dma source(%dma_start3A_500 : memref<128xf32, #tpu.memory_space<hbm>>) target(%arg8 : memref<128xf32, #tpu.memory_space<vmem>>) target_semaphore(%run_scoped3A : memref<!tpu.dma_semaphore, #tpu.memory_space<semaphore_mem>>)
      %dma_wait3A = tpu.memref_slice %arg3[%mul3A_5] : memref<4096xf32, #tpu.memory_space<hbm>> -> memref<128xf32, #tpu.memory_space<hbm>>
      %dma_wait3A_501 = tpu.memref_slice %arg3[%mul3A_5] : memref<4096xf32, #tpu.memory_space<hbm>> -> memref<128xf32, #tpu.memory_space<hbm>>
      tpu.wait_dma2 semaphore(%run_scoped3A : memref<!tpu.dma_semaphore, #tpu.memory_space<semaphore_mem>>) src(%dma_wait3A_501 : memref<128xf32, #tpu.memory_space<hbm>>) dst(%arg8 : memref<128xf32, #tpu.memory_space<vmem>>)
      tpu.yield
    }) : () -> ()
    %mul3A_6 = arith.constant 256 : i32
    %mul3A_7 = arith.muli %arg1, %mul3A_6 : i32
    %add3A_8 = arith.constant 128 : i32
    %add3A_9 = arith.addi %mul3A_7, %add3A_8 : i32
    "tpu.region"() ({
      %run_scoped3A = tpu.sem_alloc : memref<!tpu.dma_semaphore, #tpu.memory_space<semaphore_mem>>
      %dma_start3A = tpu.memref_slice %arg3[%add3A_9] : memref<4096xf32, #tpu.memory_space<hbm>> -> memref<128xf32, #tpu.memory_space<hbm>>
      %dma_start3A_500 = tpu.memref_slice %arg3[%add3A_9] : memref<4096xf32, #tpu.memory_space<hbm>> -> memref<128xf32, #tpu.memory_space<hbm>>
      tpu.enqueue_dma source(%dma_start3A_500 : memref<128xf32, #tpu.memory_space<hbm>>) target(%arg9 : memref<128xf32, #tpu.memory_space<vmem>>) target_semaphore(%run_scoped3A : memref<!tpu.dma_semaphore, #tpu.memory_space<semaphore_mem>>)
      %dma_wait3A = tpu.memref_slice %arg3[%add3A_9] : memref<4096xf32, #tpu.memory_space<hbm>> -> memref<128xf32, #tpu.memory_space<hbm>>
      %dma_wait3A_501 = tpu.memref_slice %arg3[%add3A_9] : memref<4096xf32, #tpu.memory_space<hbm>> -> memref<128xf32, #tpu.memory_space<hbm>>
      tpu.wait_dma2 semaphore(%run_scoped3A : memref<!tpu.dma_semaphore, #tpu.memory_space<semaphore_mem>>) src(%dma_wait3A_501 : memref<128xf32, #tpu.memory_space<hbm>>) dst(%arg9 : memref<128xf32, #tpu.memory_space<vmem>>)
      tpu.yield
    }) : () -> ()
    %mul3A_10 = arith.constant 256 : i32
    %mul3A_11 = arith.muli %arg1, %mul3A_10 : i32
    %add3A_12 = arith.constant 0 : i32
    %add3A_13 = arith.addi %mul3A_11, %add3A_12 : i32
    %add3A_14 = vector.broadcast %add3A_13 : i32 to vector<16xi32>
    %add3A_15 = arith.addi %add3A_14, %iota3A : vector<16xi32>
    %shift_right_arithmetic3A = arith.constant 1 : i32
    %shift_right_arithmetic3A_16 = vector.broadcast %shift_right_arithmetic3A : i32 to vector<16xi32>
    %shift_right_arithmetic3A_17 = arith.shrsi %add3A_15, %shift_right_arithmetic3A_16 : vector<16xi32>
    %swap3A = arith.constant 0 : index
    %swap3A_18 = tpu.vector_load %arg10[%swap3A] {strides = array<i32>} : memref<128xi32, #tpu.memory_space<vmem>>, vector<16xi32>,
    %swap3A_19 = vector.shape_cast %swap3A_18 : vector<16xi32> to vector<16xi32>
    %swap3A_20 = vector.shape_cast %shift_right_arithmetic3A_17 : vector<16xi32> to vector<16xi32>
    tpu.vector_store %arg10[%swap3A], %swap3A_20 {strides = array<i32>} : memref<128xi32, #tpu.memory_space<vmem>>, vector<16xi32>,
    %add3A_21 = arith.constant 128 : i32
    %add3A_22 = arith.addi %add3A_13, %add3A_21 : i32
    %add3A_23 = vector.broadcast %add3A_22 : i32 to vector<16xi32>
    %add3A_24 = arith.addi %add3A_23, %iota3A : vector<16xi32>
    %shift_right_arithmetic3A_25 = arith.constant 1 : i32
    %shift_right_arithmetic3A_26 = vector.broadcast %shift_right_arithmetic3A_25 : i32 to vector<16xi32>
    %shift_right_arithmetic3A_27 = arith.shrsi %add3A_24, %shift_right_arithmetic3A_26 : vector<16xi32>
    %swap3A_28 = arith.constant 0 : index
    %swap3A_29 = tpu.vector_load %arg11[%swap3A_28] {strides = array<i32>} : memref<128xi32, #tpu.memory_space<vmem>>, vector<16xi32>,
    %swap3A_30 = vector.shape_cast %swap3A_29 : vector<16xi32> to vector<16xi32>
    %swap3A_31 = vector.shape_cast %shift_right_arithmetic3A_27 : vector<16xi32> to vector<16xi32>
    tpu.vector_store %arg11[%swap3A_28], %swap3A_31 {strides = array<i32>} : memref<128xi32, #tpu.memory_space<vmem>>, vector<16xi32>,
    %mul3A_32 = arith.constant 256 : i32
    %mul3A_33 = arith.muli %arg1, %mul3A_32 : i32
    %add3A_34 = arith.constant 16 : i32
    %add3A_35 = arith.addi %mul3A_33, %add3A_34 : i32
    %add3A_36 = vector.broadcast %add3A_35 : i32 to vector<16xi32>
    %add3A_37 = arith.addi %add3A_36, %iota3A : vector<16xi32>
    %shift_right_arithmetic3A_38 = arith.constant 1 : i32
    %shift_right_arithmetic3A_39 = vector.broadcast %shift_right_arithmetic3A_38 : i32 to vector<16xi32>
    %shift_right_arithmetic3A_40 = arith.shrsi %add3A_37, %shift_right_arithmetic3A_39 : vector<16xi32>
    %swap3A_41 = arith.constant 16 : index
    %swap3A_42 = tpu.vector_load %arg10[%swap3A_41] {strides = array<i32>} : memref<128xi32, #tpu.memory_space<vmem>>, vector<16xi32>,
    %swap3A_43 = vector.shape_cast %swap3A_42 : vector<16xi32> to vector<16xi32>
    %swap3A_44 = vector.shape_cast %shift_right_arithmetic3A_40 : vector<16xi32> to vector<16xi32>
    tpu.vector_store %arg10[%swap3A_41], %swap3A_44 {strides = array<i32>} : memref<128xi32, #tpu.memory_space<vmem>>, vector<16xi32>,
    %add3A_45 = arith.constant 128 : i32
    %add3A_46 = arith.addi %add3A_35, %add3A_45 : i32
    %add3A_47 = vector.broadcast %add3A_46 : i32 to vector<16xi32>
    %add3A_48 = arith.addi %add3A_47, %iota3A : vector<16xi32>
    %shift_right_arithmetic3A_49 = arith.constant 1 : i32
    %shift_right_arithmetic3A_50 = vector.broadcast %shift_right_arithmetic3A_49 : i32 to vector<16xi32>
    %shift_right_arithmetic3A_51 = arith.shrsi %add3A_48, %shift_right_arithmetic3A_50 : vector<16xi32>
    %swap3A_52 = arith.constant 16 : index
    %swap3A_53 = tpu.vector_load %arg11[%swap3A_52] {strides = array<i32>} : memref<128xi32, #tpu.memory_space<vmem>>, vector<16xi32>,
    %swap3A_54 = vector.shape_cast %swap3A_53 : vector<16xi32> to vector<16xi32>
    %swap3A_55 = vector.shape_cast %shift_right_arithmetic3A_51 : vector<16xi32> to vector<16xi32>
    tpu.vector_store %arg11[%swap3A_52], %swap3A_55 {strides = array<i32>} : memref<128xi32, #tpu.memory_space<vmem>>, vector<16xi32>,
    %mul3A_56 = arith.constant 256 : i32
    %mul3A_57 = arith.muli %arg1, %mul3A_56 : i32
    %add3A_58 = arith.constant 32 : i32
    %add3A_59 = arith.addi %mul3A_57, %add3A_58 : i32
    %add3A_60 = vector.broadcast %add3A_59 : i32 to vector<16xi32>
    %add3A_61 = arith.addi %add3A_60, %iota3A : vector<16xi32>
    %shift_right_arithmetic3A_62 = arith.constant 1 : i32
    %shift_right_arithmetic3A_63 = vector.broadcast %shift_right_arithmetic3A_62 : i32 to vector<16xi32>
    %shift_right_arithmetic3A_64 = arith.shrsi %add3A_61, %shift_right_arithmetic3A_63 : vector<16xi32>
    %swap3A_65 = arith.constant 32 : index
    %swap3A_66 = tpu.vector_load %arg10[%swap3A_65] {strides = array<i32>} : memref<128xi32, #tpu.memory_space<vmem>>, vector<16xi32>,
    %swap3A_67 = vector.shape_cast %swap3A_66 : vector<16xi32> to vector<16xi32>
    %swap3A_68 = vector.shape_cast %shift_right_arithmetic3A_64 : vector<16xi32> to vector<16xi32>
    tpu.vector_store %arg10[%swap3A_65], %swap3A_68 {strides = array<i32>} : memref<128xi32, #tpu.memory_space<vmem>>, vector<16xi32>,
    %add3A_69 = arith.constant 128 : i32
    %add3A_70 = arith.addi %add3A_59, %add3A_69 : i32
    %add3A_71 = vector.broadcast %add3A_70 : i32 to vector<16xi32>
    %add3A_72 = arith.addi %add3A_71, %iota3A : vector<16xi32>
    %shift_right_arithmetic3A_73 = arith.constant 1 : i32
    %shift_right_arithmetic3A_74 = vector.broadcast %shift_right_arithmetic3A_73 : i32 to vector<16xi32>
    %shift_right_arithmetic3A_75 = arith.shrsi %add3A_72, %shift_right_arithmetic3A_74 : vector<16xi32>
    %swap3A_76 = arith.constant 32 : index
    %swap3A_77 = tpu.vector_load %arg11[%swap3A_76] {strides = array<i32>} : memref<128xi32, #tpu.memory_space<vmem>>, vector<16xi32>,
    %swap3A_78 = vector.shape_cast %swap3A_77 : vector<16xi32> to vector<16xi32>
    %swap3A_79 = vector.shape_cast %shift_right_arithmetic3A_75 : vector<16xi32> to vector<16xi32>
    tpu.vector_store %arg11[%swap3A_76], %swap3A_79 {strides = array<i32>} : memref<128xi32, #tpu.memory_space<vmem>>, vector<16xi32>,
    %mul3A_80 = arith.constant 256 : i32
    %mul3A_81 = arith.muli %arg1, %mul3A_80 : i32
    %add3A_82 = arith.constant 48 : i32
    %add3A_83 = arith.addi %mul3A_81, %add3A_82 : i32
    %add3A_84 = vector.broadcast %add3A_83 : i32 to vector<16xi32>
    %add3A_85 = arith.addi %add3A_84, %iota3A : vector<16xi32>
    %shift_right_arithmetic3A_86 = arith.constant 1 : i32
    %shift_right_arithmetic3A_87 = vector.broadcast %shift_right_arithmetic3A_86 : i32 to vector<16xi32>
    %shift_right_arithmetic3A_88 = arith.shrsi %add3A_85, %shift_right_arithmetic3A_87 : vector<16xi32>
    %swap3A_89 = arith.constant 48 : index
    %swap3A_90 = tpu.vector_load %arg10[%swap3A_89] {strides = array<i32>} : memref<128xi32, #tpu.memory_space<vmem>>, vector<16xi32>,
    %swap3A_91 = vector.shape_cast %swap3A_90 : vector<16xi32> to vector<16xi32>
    %swap3A_92 = vector.shape_cast %shift_right_arithmetic3A_88 : vector<16xi32> to vector<16xi32>
    tpu.vector_store %arg10[%swap3A_89], %swap3A_92 {strides = array<i32>} : memref<128xi32, #tpu.memory_space<vmem>>, vector<16xi32>,
    %add3A_93 = arith.constant 128 : i32
    %add3A_94 = arith.addi %add3A_83, %add3A_93 : i32
    %add3A_95 = vector.broadcast %add3A_94 : i32 to vector<16xi32>
    %add3A_96 = arith.addi %add3A_95, %iota3A : vector<16xi32>
    %shift_right_arithmetic3A_97 = arith.constant 1 : i32
    %shift_right_arithmetic3A_98 = vector.broadcast %shift_right_arithmetic3A_97 : i32 to vector<16xi32>
    %shift_right_arithmetic3A_99 = arith.shrsi %add3A_96, %shift_right_arithmetic3A_98 : vector<16xi32>
    %swap3A_100 = arith.constant 48 : index
    %swap3A_101 = tpu.vector_load %arg11[%swap3A_100] {strides = array<i32>} : memref<128xi32, #tpu.memory_space<vmem>>, vector<16xi32>,
    %swap3A_102 = vector.shape_cast %swap3A_101 : vector<16xi32> to vector<16xi32>
    %swap3A_103 = vector.shape_cast %shift_right_arithmetic3A_99 : vector<16xi32> to vector<16xi32>
    tpu.vector_store %arg11[%swap3A_100], %swap3A_103 {strides = array<i32>} : memref<128xi32, #tpu.memory_space<vmem>>, vector<16xi32>,
    %mul3A_104 = arith.constant 256 : i32
    %mul3A_105 = arith.muli %arg1, %mul3A_104 : i32
    %add3A_106 = arith.constant 64 : i32
    %add3A_107 = arith.addi %mul3A_105, %add3A_106 : i32
    %add3A_108 = vector.broadcast %add3A_107 : i32 to vector<16xi32>
    %add3A_109 = arith.addi %add3A_108, %iota3A : vector<16xi32>
    %shift_right_arithmetic3A_110 = arith.constant 1 : i32
    %shift_right_arithmetic3A_111 = vector.broadcast %shift_right_arithmetic3A_110 : i32 to vector<16xi32>
    %shift_right_arithmetic3A_112 = arith.shrsi %add3A_109, %shift_right_arithmetic3A_111 : vector<16xi32>
    %swap3A_113 = arith.constant 64 : index
    %swap3A_114 = tpu.vector_load %arg10[%swap3A_113] {strides = array<i32>} : memref<128xi32, #tpu.memory_space<vmem>>, vector<16xi32>,
    %swap3A_115 = vector.shape_cast %swap3A_114 : vector<16xi32> to vector<16xi32>
    %swap3A_116 = vector.shape_cast %shift_right_arithmetic3A_112 : vector<16xi32> to vector<16xi32>
    tpu.vector_store %arg10[%swap3A_113], %swap3A_116 {strides = array<i32>} : memref<128xi32, #tpu.memory_space<vmem>>, vector<16xi32>,
    %add3A_117 = arith.constant 128 : i32
    %add3A_118 = arith.addi %add3A_107, %add3A_117 : i32
    %add3A_119 = vector.broadcast %add3A_118 : i32 to vector<16xi32>
    %add3A_120 = arith.addi %add3A_119, %iota3A : vector<16xi32>
    %shift_right_arithmetic3A_121 = arith.constant 1 : i32
    %shift_right_arithmetic3A_122 = vector.broadcast %shift_right_arithmetic3A_121 : i32 to vector<16xi32>
    %shift_right_arithmetic3A_123 = arith.shrsi %add3A_120, %shift_right_arithmetic3A_122 : vector<16xi32>
    %swap3A_124 = arith.constant 64 : index
    %swap3A_125 = tpu.vector_load %arg11[%swap3A_124] {strides = array<i32>} : memref<128xi32, #tpu.memory_space<vmem>>, vector<16xi32>,
    %swap3A_126 = vector.shape_cast %swap3A_125 : vector<16xi32> to vector<16xi32>
    %swap3A_127 = vector.shape_cast %shift_right_arithmetic3A_123 : vector<16xi32> to vector<16xi32>
    tpu.vector_store %arg11[%swap3A_124], %swap3A_127 {strides = array<i32>} : memref<128xi32, #tpu.memory_space<vmem>>, vector<16xi32>,
    %mul3A_128 = arith.constant 256 : i32
    %mul3A_129 = arith.muli %arg1, %mul3A_128 : i32
    %add3A_130 = arith.constant 80 : i32
    %add3A_131 = arith.addi %mul3A_129, %add3A_130 : i32
    %add3A_132 = vector.broadcast %add3A_131 : i32 to vector<16xi32>
    %add3A_133 = arith.addi %add3A_132, %iota3A : vector<16xi32>
    %shift_right_arithmetic3A_134 = arith.constant 1 : i32
    %shift_right_arithmetic3A_135 = vector.broadcast %shift_right_arithmetic3A_134 : i32 to vector<16xi32>
    %shift_right_arithmetic3A_136 = arith.shrsi %add3A_133, %shift_right_arithmetic3A_135 : vector<16xi32>
    %swap3A_137 = arith.constant 80 : index
    %swap3A_138 = tpu.vector_load %arg10[%swap3A_137] {strides = array<i32>} : memref<128xi32, #tpu.memory_space<vmem>>, vector<16xi32>,
    %swap3A_139 = vector.shape_cast %swap3A_138 : vector<16xi32> to vector<16xi32>
    %swap3A_140 = vector.shape_cast %shift_right_arithmetic3A_136 : vector<16xi32> to vector<16xi32>
    tpu.vector_store %arg10[%swap3A_137], %swap3A_140 {strides = array<i32>} : memref<128xi32, #tpu.memory_space<vmem>>, vector<16xi32>,
    %add3A_141 = arith.constant 128 : i32
    %add3A_142 = arith.addi %add3A_131, %add3A_141 : i32
    %add3A_143 = vector.broadcast %add3A_142 : i32 to vector<16xi32>
    %add3A_144 = arith.addi %add3A_143, %iota3A : vector<16xi32>
    %shift_right_arithmetic3A_145 = arith.constant 1 : i32
    %shift_right_arithmetic3A_146 = vector.broadcast %shift_right_arithmetic3A_145 : i32 to vector<16xi32>
    %shift_right_arithmetic3A_147 = arith.shrsi %add3A_144, %shift_right_arithmetic3A_146 : vector<16xi32>
    %swap3A_148 = arith.constant 80 : index
    %swap3A_149 = tpu.vector_load %arg11[%swap3A_148] {strides = array<i32>} : memref<128xi32, #tpu.memory_space<vmem>>, vector<16xi32>,
    %swap3A_150 = vector.shape_cast %swap3A_149 : vector<16xi32> to vector<16xi32>
    %swap3A_151 = vector.shape_cast %shift_right_arithmetic3A_147 : vector<16xi32> to vector<16xi32>
    tpu.vector_store %arg11[%swap3A_148], %swap3A_151 {strides = array<i32>} : memref<128xi32, #tpu.memory_space<vmem>>, vector<16xi32>,
    %mul3A_152 = arith.constant 256 : i32
    %mul3A_153 = arith.muli %arg1, %mul3A_152 : i32
    %add3A_154 = arith.constant 96 : i32
    %add3A_155 = arith.addi %mul3A_153, %add3A_154 : i32
    %add3A_156 = vector.broadcast %add3A_155 : i32 to vector<16xi32>
    %add3A_157 = arith.addi %add3A_156, %iota3A : vector<16xi32>
    %shift_right_arithmetic3A_158 = arith.constant 1 : i32
    %shift_right_arithmetic3A_159 = vector.broadcast %shift_right_arithmetic3A_158 : i32 to vector<16xi32>
    %shift_right_arithmetic3A_160 = arith.shrsi %add3A_157, %shift_right_arithmetic3A_159 : vector<16xi32>
    %swap3A_161 = arith.constant 96 : index
    %swap3A_162 = tpu.vector_load %arg10[%swap3A_161] {strides = array<i32>} : memref<128xi32, #tpu.memory_space<vmem>>, vector<16xi32>,
    %swap3A_163 = vector.shape_cast %swap3A_162 : vector<16xi32> to vector<16xi32>
    %swap3A_164 = vector.shape_cast %shift_right_arithmetic3A_160 : vector<16xi32> to vector<16xi32>
    tpu.vector_store %arg10[%swap3A_161], %swap3A_164 {strides = array<i32>} : memref<128xi32, #tpu.memory_space<vmem>>, vector<16xi32>,
    %add3A_165 = arith.constant 128 : i32
    %add3A_166 = arith.addi %add3A_155, %add3A_165 : i32
    %add3A_167 = vector.broadcast %add3A_166 : i32 to vector<16xi32>
    %add3A_168 = arith.addi %add3A_167, %iota3A : vector<16xi32>
    %shift_right_arithmetic3A_169 = arith.constant 1 : i32
    %shift_right_arithmetic3A_170 = vector.broadcast %shift_right_arithmetic3A_169 : i32 to vector<16xi32>
    %shift_right_arithmetic3A_171 = arith.shrsi %add3A_168, %shift_right_arithmetic3A_170 : vector<16xi32>
    %swap3A_172 = arith.constant 96 : index
    %swap3A_173 = tpu.vector_load %arg11[%swap3A_172] {strides = array<i32>} : memref<128xi32, #tpu.memory_space<vmem>>, vector<16xi32>,
    %swap3A_174 = vector.shape_cast %swap3A_173 : vector<16xi32> to vector<16xi32>
    %swap3A_175 = vector.shape_cast %shift_right_arithmetic3A_171 : vector<16xi32> to vector<16xi32>
    tpu.vector_store %arg11[%swap3A_172], %swap3A_175 {strides = array<i32>} : memref<128xi32, #tpu.memory_space<vmem>>, vector<16xi32>,
    %mul3A_176 = arith.constant 256 : i32
    %mul3A_177 = arith.muli %arg1, %mul3A_176 : i32
    %add3A_178 = arith.constant 112 : i32
    %add3A_179 = arith.addi %mul3A_177, %add3A_178 : i32
    %add3A_180 = vector.broadcast %add3A_179 : i32 to vector<16xi32>
    %add3A_181 = arith.addi %add3A_180, %iota3A : vector<16xi32>
    %shift_right_arithmetic3A_182 = arith.constant 1 : i32
    %shift_right_arithmetic3A_183 = vector.broadcast %shift_right_arithmetic3A_182 : i32 to vector<16xi32>
    %shift_right_arithmetic3A_184 = arith.shrsi %add3A_181, %shift_right_arithmetic3A_183 : vector<16xi32>
    %swap3A_185 = arith.constant 112 : index
    %swap3A_186 = tpu.vector_load %arg10[%swap3A_185] {strides = array<i32>} : memref<128xi32, #tpu.memory_space<vmem>>, vector<16xi32>,
    %swap3A_187 = vector.shape_cast %swap3A_186 : vector<16xi32> to vector<16xi32>
    %swap3A_188 = vector.shape_cast %shift_right_arithmetic3A_184 : vector<16xi32> to vector<16xi32>
    tpu.vector_store %arg10[%swap3A_185], %swap3A_188 {strides = array<i32>} : memref<128xi32, #tpu.memory_space<vmem>>, vector<16xi32>,
    %add3A_189 = arith.constant 128 : i32
    %add3A_190 = arith.addi %add3A_179, %add3A_189 : i32
    %add3A_191 = vector.broadcast %add3A_190 : i32 to vector<16xi32>
    %add3A_192 = arith.addi %add3A_191, %iota3A : vector<16xi32>
    %shift_right_arithmetic3A_193 = arith.constant 1 : i32
    %shift_right_arithmetic3A_194 = vector.broadcast %shift_right_arithmetic3A_193 : i32 to vector<16xi32>
    %shift_right_arithmetic3A_195 = arith.shrsi %add3A_192, %shift_right_arithmetic3A_194 : vector<16xi32>
    %swap3A_196 = arith.constant 112 : index
    %swap3A_197 = tpu.vector_load %arg11[%swap3A_196] {strides = array<i32>} : memref<128xi32, #tpu.memory_space<vmem>>, vector<16xi32>,
    %swap3A_198 = vector.shape_cast %swap3A_197 : vector<16xi32> to vector<16xi32>
    %swap3A_199 = vector.shape_cast %shift_right_arithmetic3A_195 : vector<16xi32> to vector<16xi32>
    tpu.vector_store %arg11[%swap3A_196], %swap3A_199 {strides = array<i32>} : memref<128xi32, #tpu.memory_space<vmem>>, vector<16xi32>,
    %broadcast_in_dim3A = arith.constant 0 : i32
    %broadcast_in_dim3A_200 = vector.broadcast %broadcast_in_dim3A : i32 to vector<16xi32>
    %swap3A_201 = arith.constant 0 : index
    %swap3A_202 = tpu.vector_load %arg12[%swap3A_201] {strides = array<i32>} : memref<384xi32, #tpu.memory_space<vmem>>, vector<16xi32>,
    %swap3A_203 = vector.shape_cast %swap3A_202 : vector<16xi32> to vector<16xi32>
    %swap3A_204 = vector.shape_cast %broadcast_in_dim3A_200 : vector<16xi32> to vector<16xi32>
    tpu.vector_store %arg12[%swap3A_201], %swap3A_204 {strides = array<i32>} : memref<384xi32, #tpu.memory_space<vmem>>, vector<16xi32>,
    %broadcast_in_dim3A_205 = arith.constant 0.000000e+00 : f32
    %broadcast_in_dim3A_206 = vector.broadcast %broadcast_in_dim3A_205 : f32 to vector<16xf32>
    %swap3A_207 = arith.constant 0 : index
    %swap3A_208 = tpu.vector_load %arg13[%swap3A_207] {strides = array<i32>} : memref<384xf32, #tpu.memory_space<vmem>>, vector<16xf32>,
    %swap3A_209 = vector.shape_cast %swap3A_208 : vector<16xf32> to vector<16xf32>
    %swap3A_210 = vector.shape_cast %broadcast_in_dim3A_206 : vector<16xf32> to vector<16xf32>
    tpu.vector_store %arg13[%swap3A_207], %swap3A_210 {strides = array<i32>} : memref<384xf32, #tpu.memory_space<vmem>>, vector<16xf32>,
    %broadcast_in_dim3A_211 = arith.constant 0 : i32
    %broadcast_in_dim3A_212 = vector.broadcast %broadcast_in_dim3A_211 : i32 to vector<16xi32>
    %swap3A_213 = arith.constant 16 : index
    %swap3A_214 = tpu.vector_load %arg12[%swap3A_213] {strides = array<i32>} : memref<384xi32, #tpu.memory_space<vmem>>, vector<16xi32>,
    %swap3A_215 = vector.shape_cast %swap3A_214 : vector<16xi32> to vector<16xi32>
    %swap3A_216 = vector.shape_cast %broadcast_in_dim3A_212 : vector<16xi32> to vector<16xi32>
    tpu.vector_store %arg12[%swap3A_213], %swap3A_216 {strides = array<i32>} : memref<384xi32, #tpu.memory_space<vmem>>, vector<16xi32>,
    %broadcast_in_dim3A_217 = arith.constant 0.000000e+00 : f32
    %broadcast_in_dim3A_218 = vector.broadcast %broadcast_in_dim3A_217 : f32 to vector<16xf32>
    %swap3A_219 = arith.constant 16 : index
    %swap3A_220 = tpu.vector_load %arg13[%swap3A_219] {strides = array<i32>} : memref<384xf32, #tpu.memory_space<vmem>>, vector<16xf32>,
    %swap3A_221 = vector.shape_cast %swap3A_220 : vector<16xf32> to vector<16xf32>
    %swap3A_222 = vector.shape_cast %broadcast_in_dim3A_218 : vector<16xf32> to vector<16xf32>
    tpu.vector_store %arg13[%swap3A_219], %swap3A_222 {strides = array<i32>} : memref<384xf32, #tpu.memory_space<vmem>>, vector<16xf32>,
    %broadcast_in_dim3A_223 = arith.constant 0 : i32
    %broadcast_in_dim3A_224 = vector.broadcast %broadcast_in_dim3A_223 : i32 to vector<16xi32>
    %swap3A_225 = arith.constant 32 : index
    %swap3A_226 = tpu.vector_load %arg12[%swap3A_225] {strides = array<i32>} : memref<384xi32, #tpu.memory_space<vmem>>, vector<16xi32>,
    %swap3A_227 = vector.shape_cast %swap3A_226 : vector<16xi32> to vector<16xi32>
    %swap3A_228 = vector.shape_cast %broadcast_in_dim3A_224 : vector<16xi32> to vector<16xi32>
    tpu.vector_store %arg12[%swap3A_225], %swap3A_228 {strides = array<i32>} : memref<384xi32, #tpu.memory_space<vmem>>, vector<16xi32>,
    %broadcast_in_dim3A_229 = arith.constant 0.000000e+00 : f32
    %broadcast_in_dim3A_230 = vector.broadcast %broadcast_in_dim3A_229 : f32 to vector<16xf32>
    %swap3A_231 = arith.constant 32 : index
    %swap3A_232 = tpu.vector_load %arg13[%swap3A_231] {strides = array<i32>} : memref<384xf32, #tpu.memory_space<vmem>>, vector<16xf32>,
    %swap3A_233 = vector.shape_cast %swap3A_232 : vector<16xf32> to vector<16xf32>
    %swap3A_234 = vector.shape_cast %broadcast_in_dim3A_230 : vector<16xf32> to vector<16xf32>
    tpu.vector_store %arg13[%swap3A_231], %swap3A_234 {strides = array<i32>} : memref<384xf32, #tpu.memory_space<vmem>>, vector<16xf32>,
    %broadcast_in_dim3A_235 = arith.constant 0 : i32
    %broadcast_in_dim3A_236 = vector.broadcast %broadcast_in_dim3A_235 : i32 to vector<16xi32>
    %swap3A_237 = arith.constant 48 : index
    %swap3A_238 = tpu.vector_load %arg12[%swap3A_237] {strides = array<i32>} : memref<384xi32, #tpu.memory_space<vmem>>, vector<16xi32>,
    %swap3A_239 = vector.shape_cast %swap3A_238 : vector<16xi32> to vector<16xi32>
    %swap3A_240 = vector.shape_cast %broadcast_in_dim3A_236 : vector<16xi32> to vector<16xi32>
    tpu.vector_store %arg12[%swap3A_237], %swap3A_240 {strides = array<i32>} : memref<384xi32, #tpu.memory_space<vmem>>, vector<16xi32>,
    %broadcast_in_dim3A_241 = arith.constant 0.000000e+00 : f32
    %broadcast_in_dim3A_242 = vector.broadcast %broadcast_in_dim3A_241 : f32 to vector<16xf32>
    %swap3A_243 = arith.constant 48 : index
    %swap3A_244 = tpu.vector_load %arg13[%swap3A_243] {strides = array<i32>} : memref<384xf32, #tpu.memory_space<vmem>>, vector<16xf32>,
    %swap3A_245 = vector.shape_cast %swap3A_244 : vector<16xf32> to vector<16xf32>
    %swap3A_246 = vector.shape_cast %broadcast_in_dim3A_242 : vector<16xf32> to vector<16xf32>
    tpu.vector_store %arg13[%swap3A_243], %swap3A_246 {strides = array<i32>} : memref<384xf32, #tpu.memory_space<vmem>>, vector<16xf32>,
    %broadcast_in_dim3A_247 = arith.constant 0 : i32
    %broadcast_in_dim3A_248 = vector.broadcast %broadcast_in_dim3A_247 : i32 to vector<16xi32>
    %swap3A_249 = arith.constant 64 : index
    %swap3A_250 = tpu.vector_load %arg12[%swap3A_249] {strides = array<i32>} : memref<384xi32, #tpu.memory_space<vmem>>, vector<16xi32>,
    %swap3A_251 = vector.shape_cast %swap3A_250 : vector<16xi32> to vector<16xi32>
    %swap3A_252 = vector.shape_cast %broadcast_in_dim3A_248 : vector<16xi32> to vector<16xi32>
    tpu.vector_store %arg12[%swap3A_249], %swap3A_252 {strides = array<i32>} : memref<384xi32, #tpu.memory_space<vmem>>, vector<16xi32>,
    %broadcast_in_dim3A_253 = arith.constant 0.000000e+00 : f32
    %broadcast_in_dim3A_254 = vector.broadcast %broadcast_in_dim3A_253 : f32 to vector<16xf32>
    %swap3A_255 = arith.constant 64 : index
    %swap3A_256 = tpu.vector_load %arg13[%swap3A_255] {strides = array<i32>} : memref<384xf32, #tpu.memory_space<vmem>>, vector<16xf32>,
    %swap3A_257 = vector.shape_cast %swap3A_256 : vector<16xf32> to vector<16xf32>
    %swap3A_258 = vector.shape_cast %broadcast_in_dim3A_254 : vector<16xf32> to vector<16xf32>
    tpu.vector_store %arg13[%swap3A_255], %swap3A_258 {strides = array<i32>} : memref<384xf32, #tpu.memory_space<vmem>>, vector<16xf32>,
    %broadcast_in_dim3A_259 = arith.constant 0 : i32
    %broadcast_in_dim3A_260 = vector.broadcast %broadcast_in_dim3A_259 : i32 to vector<16xi32>
    %swap3A_261 = arith.constant 80 : index
    %swap3A_262 = tpu.vector_load %arg12[%swap3A_261] {strides = array<i32>} : memref<384xi32, #tpu.memory_space<vmem>>, vector<16xi32>,
    %swap3A_263 = vector.shape_cast %swap3A_262 : vector<16xi32> to vector<16xi32>
    %swap3A_264 = vector.shape_cast %broadcast_in_dim3A_260 : vector<16xi32> to vector<16xi32>
    tpu.vector_store %arg12[%swap3A_261], %swap3A_264 {strides = array<i32>} : memref<384xi32, #tpu.memory_space<vmem>>, vector<16xi32>,
    %broadcast_in_dim3A_265 = arith.constant 0.000000e+00 : f32
    %broadcast_in_dim3A_266 = vector.broadcast %broadcast_in_dim3A_265 : f32 to vector<16xf32>
    %swap3A_267 = arith.constant 80 : index
    %swap3A_268 = tpu.vector_load %arg13[%swap3A_267] {strides = array<i32>} : memref<384xf32, #tpu.memory_space<vmem>>, vector<16xf32>,
    %swap3A_269 = vector.shape_cast %swap3A_268 : vector<16xf32> to vector<16xf32>
    %swap3A_270 = vector.shape_cast %broadcast_in_dim3A_266 : vector<16xf32> to vector<16xf32>
    tpu.vector_store %arg13[%swap3A_267], %swap3A_270 {strides = array<i32>} : memref<384xf32, #tpu.memory_space<vmem>>, vector<16xf32>,
    %broadcast_in_dim3A_271 = arith.constant 0 : i32
    %broadcast_in_dim3A_272 = vector.broadcast %broadcast_in_dim3A_271 : i32 to vector<16xi32>
    %swap3A_273 = arith.constant 96 : index
    %swap3A_274 = tpu.vector_load %arg12[%swap3A_273] {strides = array<i32>} : memref<384xi32, #tpu.memory_space<vmem>>, vector<16xi32>,
    %swap3A_275 = vector.shape_cast %swap3A_274 : vector<16xi32> to vector<16xi32>
    %swap3A_276 = vector.shape_cast %broadcast_in_dim3A_272 : vector<16xi32> to vector<16xi32>
    tpu.vector_store %arg12[%swap3A_273], %swap3A_276 {strides = array<i32>} : memref<384xi32, #tpu.memory_space<vmem>>, vector<16xi32>,
    %broadcast_in_dim3A_277 = arith.constant 0.000000e+00 : f32
    %broadcast_in_dim3A_278 = vector.broadcast %broadcast_in_dim3A_277 : f32 to vector<16xf32>
    %swap3A_279 = arith.constant 96 : index
    %swap3A_280 = tpu.vector_load %arg13[%swap3A_279] {strides = array<i32>} : memref<384xf32, #tpu.memory_space<vmem>>, vector<16xf32>,
    %swap3A_281 = vector.shape_cast %swap3A_280 : vector<16xf32> to vector<16xf32>
    %swap3A_282 = vector.shape_cast %broadcast_in_dim3A_278 : vector<16xf32> to vector<16xf32>
    tpu.vector_store %arg13[%swap3A_279], %swap3A_282 {strides = array<i32>} : memref<384xf32, #tpu.memory_space<vmem>>, vector<16xf32>,
    %broadcast_in_dim3A_283 = arith.constant 0 : i32
    %broadcast_in_dim3A_284 = vector.broadcast %broadcast_in_dim3A_283 : i32 to vector<16xi32>
    %swap3A_285 = arith.constant 112 : index
    %swap3A_286 = tpu.vector_load %arg12[%swap3A_285] {strides = array<i32>} : memref<384xi32, #tpu.memory_space<vmem>>, vector<16xi32>,
    %swap3A_287 = vector.shape_cast %swap3A_286 : vector<16xi32> to vector<16xi32>
    %swap3A_288 = vector.shape_cast %broadcast_in_dim3A_284 : vector<16xi32> to vector<16xi32>
    tpu.vector_store %arg12[%swap3A_285], %swap3A_288 {strides = array<i32>} : memref<384xi32, #tpu.memory_space<vmem>>, vector<16xi32>,
    %broadcast_in_dim3A_289 = arith.constant 0.000000e+00 : f32
    %broadcast_in_dim3A_290 = vector.broadcast %broadcast_in_dim3A_289 : f32 to vector<16xf32>
    %swap3A_291 = arith.constant 112 : index
    %swap3A_292 = tpu.vector_load %arg13[%swap3A_291] {strides = array<i32>} : memref<384xf32, #tpu.memory_space<vmem>>, vector<16xf32>,
    %swap3A_293 = vector.shape_cast %swap3A_292 : vector<16xf32> to vector<16xf32>
    %swap3A_294 = vector.shape_cast %broadcast_in_dim3A_290 : vector<16xf32> to vector<16xf32>
    tpu.vector_store %arg13[%swap3A_291], %swap3A_294 {strides = array<i32>} : memref<384xf32, #tpu.memory_space<vmem>>, vector<16xf32>,
    %broadcast_in_dim3A_295 = arith.constant 0 : i32
    %broadcast_in_dim3A_296 = vector.broadcast %broadcast_in_dim3A_295 : i32 to vector<16xi32>
    %swap3A_297 = arith.constant 128 : index
    %swap3A_298 = tpu.vector_load %arg12[%swap3A_297] {strides = array<i32>} : memref<384xi32, #tpu.memory_space<vmem>>, vector<16xi32>,
    %swap3A_299 = vector.shape_cast %swap3A_298 : vector<16xi32> to vector<16xi32>
    %swap3A_300 = vector.shape_cast %broadcast_in_dim3A_296 : vector<16xi32> to vector<16xi32>
    tpu.vector_store %arg12[%swap3A_297], %swap3A_300 {strides = array<i32>} : memref<384xi32, #tpu.memory_space<vmem>>, vector<16xi32>,
    %broadcast_in_dim3A_301 = arith.constant 0.000000e+00 : f32
    %broadcast_in_dim3A_302 = vector.broadcast %broadcast_in_dim3A_301 : f32 to vector<16xf32>
    %swap3A_303 = arith.constant 128 : index
    %swap3A_304 = tpu.vector_load %arg13[%swap3A_303] {strides = array<i32>} : memref<384xf32, #tpu.memory_space<vmem>>, vector<16xf32>,
    %swap3A_305 = vector.shape_cast %swap3A_304 : vector<16xf32> to vector<16xf32>
    %swap3A_306 = vector.shape_cast %broadcast_in_dim3A_302 : vector<16xf32> to vector<16xf32>
    tpu.vector_store %arg13[%swap3A_303], %swap3A_306 {strides = array<i32>} : memref<384xf32, #tpu.memory_space<vmem>>, vector<16xf32>,
    %broadcast_in_dim3A_307 = arith.constant 0 : i32
    %broadcast_in_dim3A_308 = vector.broadcast %broadcast_in_dim3A_307 : i32 to vector<16xi32>
    %swap3A_309 = arith.constant 144 : index
    %swap3A_310 = tpu.vector_load %arg12[%swap3A_309] {strides = array<i32>} : memref<384xi32, #tpu.memory_space<vmem>>, vector<16xi32>,
    %swap3A_311 = vector.shape_cast %swap3A_310 : vector<16xi32> to vector<16xi32>
    %swap3A_312 = vector.shape_cast %broadcast_in_dim3A_308 : vector<16xi32> to vector<16xi32>
    tpu.vector_store %arg12[%swap3A_309], %swap3A_312 {strides = array<i32>} : memref<384xi32, #tpu.memory_space<vmem>>, vector<16xi32>,
    %broadcast_in_dim3A_313 = arith.constant 0.000000e+00 : f32
    %broadcast_in_dim3A_314 = vector.broadcast %broadcast_in_dim3A_313 : f32 to vector<16xf32>
    %swap3A_315 = arith.constant 144 : index
    %swap3A_316 = tpu.vector_load %arg13[%swap3A_315] {strides = array<i32>} : memref<384xf32, #tpu.memory_space<vmem>>, vector<16xf32>,
    %swap3A_317 = vector.shape_cast %swap3A_316 : vector<16xf32> to vector<16xf32>
    %swap3A_318 = vector.shape_cast %broadcast_in_dim3A_314 : vector<16xf32> to vector<16xf32>
    tpu.vector_store %arg13[%swap3A_315], %swap3A_318 {strides = array<i32>} : memref<384xf32, #tpu.memory_space<vmem>>, vector<16xf32>,
    %broadcast_in_dim3A_319 = arith.constant 0 : i32
    %broadcast_in_dim3A_320 = vector.broadcast %broadcast_in_dim3A_319 : i32 to vector<16xi32>
    %swap3A_321 = arith.constant 160 : index
    %swap3A_322 = tpu.vector_load %arg12[%swap3A_321] {strides = array<i32>} : memref<384xi32, #tpu.memory_space<vmem>>, vector<16xi32>,
    %swap3A_323 = vector.shape_cast %swap3A_322 : vector<16xi32> to vector<16xi32>
    %swap3A_324 = vector.shape_cast %broadcast_in_dim3A_320 : vector<16xi32> to vector<16xi32>
    tpu.vector_store %arg12[%swap3A_321], %swap3A_324 {strides = array<i32>} : memref<384xi32, #tpu.memory_space<vmem>>, vector<16xi32>,
    %broadcast_in_dim3A_325 = arith.constant 0.000000e+00 : f32
    %broadcast_in_dim3A_326 = vector.broadcast %broadcast_in_dim3A_325 : f32 to vector<16xf32>
    %swap3A_327 = arith.constant 160 : index
    %swap3A_328 = tpu.vector_load %arg13[%swap3A_327] {strides = array<i32>} : memref<384xf32, #tpu.memory_space<vmem>>, vector<16xf32>,
    %swap3A_329 = vector.shape_cast %swap3A_328 : vector<16xf32> to vector<16xf32>
    %swap3A_330 = vector.shape_cast %broadcast_in_dim3A_326 : vector<16xf32> to vector<16xf32>
    tpu.vector_store %arg13[%swap3A_327], %swap3A_330 {strides = array<i32>} : memref<384xf32, #tpu.memory_space<vmem>>, vector<16xf32>,
    %broadcast_in_dim3A_331 = arith.constant 0 : i32
    %broadcast_in_dim3A_332 = vector.broadcast %broadcast_in_dim3A_331 : i32 to vector<16xi32>
    %swap3A_333 = arith.constant 176 : index
    %swap3A_334 = tpu.vector_load %arg12[%swap3A_333] {strides = array<i32>} : memref<384xi32, #tpu.memory_space<vmem>>, vector<16xi32>,
    %swap3A_335 = vector.shape_cast %swap3A_334 : vector<16xi32> to vector<16xi32>
    %swap3A_336 = vector.shape_cast %broadcast_in_dim3A_332 : vector<16xi32> to vector<16xi32>
    tpu.vector_store %arg12[%swap3A_333], %swap3A_336 {strides = array<i32>} : memref<384xi32, #tpu.memory_space<vmem>>, vector<16xi32>,
    %broadcast_in_dim3A_337 = arith.constant 0.000000e+00 : f32
    %broadcast_in_dim3A_338 = vector.broadcast %broadcast_in_dim3A_337 : f32 to vector<16xf32>
    %swap3A_339 = arith.constant 176 : index
    %swap3A_340 = tpu.vector_load %arg13[%swap3A_339] {strides = array<i32>} : memref<384xf32, #tpu.memory_space<vmem>>, vector<16xf32>,
    %swap3A_341 = vector.shape_cast %swap3A_340 : vector<16xf32> to vector<16xf32>
    %swap3A_342 = vector.shape_cast %broadcast_in_dim3A_338 : vector<16xf32> to vector<16xf32>
    tpu.vector_store %arg13[%swap3A_339], %swap3A_342 {strides = array<i32>} : memref<384xf32, #tpu.memory_space<vmem>>, vector<16xf32>,
    %broadcast_in_dim3A_343 = arith.constant 0 : i32
    %broadcast_in_dim3A_344 = vector.broadcast %broadcast_in_dim3A_343 : i32 to vector<16xi32>
    %swap3A_345 = arith.constant 192 : index
    %swap3A_346 = tpu.vector_load %arg12[%swap3A_345] {strides = array<i32>} : memref<384xi32, #tpu.memory_space<vmem>>, vector<16xi32>,
    %swap3A_347 = vector.shape_cast %swap3A_346 : vector<16xi32> to vector<16xi32>
    %swap3A_348 = vector.shape_cast %broadcast_in_dim3A_344 : vector<16xi32> to vector<16xi32>
    tpu.vector_store %arg12[%swap3A_345], %swap3A_348 {strides = array<i32>} : memref<384xi32, #tpu.memory_space<vmem>>, vector<16xi32>,
    %broadcast_in_dim3A_349 = arith.constant 0.000000e+00 : f32
    %broadcast_in_dim3A_350 = vector.broadcast %broadcast_in_dim3A_349 : f32 to vector<16xf32>
    %swap3A_351 = arith.constant 192 : index
    %swap3A_352 = tpu.vector_load %arg13[%swap3A_351] {strides = array<i32>} : memref<384xf32, #tpu.memory_space<vmem>>, vector<16xf32>,
    %swap3A_353 = vector.shape_cast %swap3A_352 : vector<16xf32> to vector<16xf32>
    %swap3A_354 = vector.shape_cast %broadcast_in_dim3A_350 : vector<16xf32> to vector<16xf32>
    tpu.vector_store %arg13[%swap3A_351], %swap3A_354 {strides = array<i32>} : memref<384xf32, #tpu.memory_space<vmem>>, vector<16xf32>,
    %broadcast_in_dim3A_355 = arith.constant 0 : i32
    %broadcast_in_dim3A_356 = vector.broadcast %broadcast_in_dim3A_355 : i32 to vector<16xi32>
    %swap3A_357 = arith.constant 208 : index
    %swap3A_358 = tpu.vector_load %arg12[%swap3A_357] {strides = array<i32>} : memref<384xi32, #tpu.memory_space<vmem>>, vector<16xi32>,
    %swap3A_359 = vector.shape_cast %swap3A_358 : vector<16xi32> to vector<16xi32>
    %swap3A_360 = vector.shape_cast %broadcast_in_dim3A_356 : vector<16xi32> to vector<16xi32>
    tpu.vector_store %arg12[%swap3A_357], %swap3A_360 {strides = array<i32>} : memref<384xi32, #tpu.memory_space<vmem>>, vector<16xi32>,
    %broadcast_in_dim3A_361 = arith.constant 0.000000e+00 : f32
    %broadcast_in_dim3A_362 = vector.broadcast %broadcast_in_dim3A_361 : f32 to vector<16xf32>
    %swap3A_363 = arith.constant 208 : index
    %swap3A_364 = tpu.vector_load %arg13[%swap3A_363] {strides = array<i32>} : memref<384xf32, #tpu.memory_space<vmem>>, vector<16xf32>,
    %swap3A_365 = vector.shape_cast %swap3A_364 : vector<16xf32> to vector<16xf32>
    %swap3A_366 = vector.shape_cast %broadcast_in_dim3A_362 : vector<16xf32> to vector<16xf32>
    tpu.vector_store %arg13[%swap3A_363], %swap3A_366 {strides = array<i32>} : memref<384xf32, #tpu.memory_space<vmem>>, vector<16xf32>,
    %broadcast_in_dim3A_367 = arith.constant 0 : i32
    %broadcast_in_dim3A_368 = vector.broadcast %broadcast_in_dim3A_367 : i32 to vector<16xi32>
    %swap3A_369 = arith.constant 224 : index
    %swap3A_370 = tpu.vector_load %arg12[%swap3A_369] {strides = array<i32>} : memref<384xi32, #tpu.memory_space<vmem>>, vector<16xi32>,
    %swap3A_371 = vector.shape_cast %swap3A_370 : vector<16xi32> to vector<16xi32>
    %swap3A_372 = vector.shape_cast %broadcast_in_dim3A_368 : vector<16xi32> to vector<16xi32>
    tpu.vector_store %arg12[%swap3A_369], %swap3A_372 {strides = array<i32>} : memref<384xi32, #tpu.memory_space<vmem>>, vector<16xi32>,
    %broadcast_in_dim3A_373 = arith.constant 0.000000e+00 : f32
    %broadcast_in_dim3A_374 = vector.broadcast %broadcast_in_dim3A_373 : f32 to vector<16xf32>
    %swap3A_375 = arith.constant 224 : index
    %swap3A_376 = tpu.vector_load %arg13[%swap3A_375] {strides = array<i32>} : memref<384xf32, #tpu.memory_space<vmem>>, vector<16xf32>,
    %swap3A_377 = vector.shape_cast %swap3A_376 : vector<16xf32> to vector<16xf32>
    %swap3A_378 = vector.shape_cast %broadcast_in_dim3A_374 : vector<16xf32> to vector<16xf32>
    tpu.vector_store %arg13[%swap3A_375], %swap3A_378 {strides = array<i32>} : memref<384xf32, #tpu.memory_space<vmem>>, vector<16xf32>,
    %broadcast_in_dim3A_379 = arith.constant 0 : i32
    %broadcast_in_dim3A_380 = vector.broadcast %broadcast_in_dim3A_379 : i32 to vector<16xi32>
    %swap3A_381 = arith.constant 240 : index
    %swap3A_382 = tpu.vector_load %arg12[%swap3A_381] {strides = array<i32>} : memref<384xi32, #tpu.memory_space<vmem>>, vector<16xi32>,
    %swap3A_383 = vector.shape_cast %swap3A_382 : vector<16xi32> to vector<16xi32>
    %swap3A_384 = vector.shape_cast %broadcast_in_dim3A_380 : vector<16xi32> to vector<16xi32>
    tpu.vector_store %arg12[%swap3A_381], %swap3A_384 {strides = array<i32>} : memref<384xi32, #tpu.memory_space<vmem>>, vector<16xi32>,
    %broadcast_in_dim3A_385 = arith.constant 0.000000e+00 : f32
    %broadcast_in_dim3A_386 = vector.broadcast %broadcast_in_dim3A_385 : f32 to vector<16xf32>
    %swap3A_387 = arith.constant 240 : index
    %swap3A_388 = tpu.vector_load %arg13[%swap3A_387] {strides = array<i32>} : memref<384xf32, #tpu.memory_space<vmem>>, vector<16xf32>,
    %swap3A_389 = vector.shape_cast %swap3A_388 : vector<16xf32> to vector<16xf32>
    %swap3A_390 = vector.shape_cast %broadcast_in_dim3A_386 : vector<16xf32> to vector<16xf32>
    tpu.vector_store %arg13[%swap3A_387], %swap3A_390 {strides = array<i32>} : memref<384xf32, #tpu.memory_space<vmem>>, vector<16xf32>,
    %broadcast_in_dim3A_391 = arith.constant 0 : i32
    %broadcast_in_dim3A_392 = vector.broadcast %broadcast_in_dim3A_391 : i32 to vector<16xi32>
    %swap3A_393 = arith.constant 256 : index
    %swap3A_394 = tpu.vector_load %arg12[%swap3A_393] {strides = array<i32>} : memref<384xi32, #tpu.memory_space<vmem>>, vector<16xi32>,
    %swap3A_395 = vector.shape_cast %swap3A_394 : vector<16xi32> to vector<16xi32>
    %swap3A_396 = vector.shape_cast %broadcast_in_dim3A_392 : vector<16xi32> to vector<16xi32>
    tpu.vector_store %arg12[%swap3A_393], %swap3A_396 {strides = array<i32>} : memref<384xi32, #tpu.memory_space<vmem>>, vector<16xi32>,
    %broadcast_in_dim3A_397 = arith.constant 0.000000e+00 : f32
    %broadcast_in_dim3A_398 = vector.broadcast %broadcast_in_dim3A_397 : f32 to vector<16xf32>
    %swap3A_399 = arith.constant 256 : index
    %swap3A_400 = tpu.vector_load %arg13[%swap3A_399] {strides = array<i32>} : memref<384xf32, #tpu.memory_space<vmem>>, vector<16xf32>,
    %swap3A_401 = vector.shape_cast %swap3A_400 : vector<16xf32> to vector<16xf32>
    %swap3A_402 = vector.shape_cast %broadcast_in_dim3A_398 : vector<16xf32> to vector<16xf32>
    tpu.vector_store %arg13[%swap3A_399], %swap3A_402 {strides = array<i32>} : memref<384xf32, #tpu.memory_space<vmem>>, vector<16xf32>,
    %broadcast_in_dim3A_403 = arith.constant 0 : i32
    %broadcast_in_dim3A_404 = vector.broadcast %broadcast_in_dim3A_403 : i32 to vector<16xi32>
    %swap3A_405 = arith.constant 272 : index
    %swap3A_406 = tpu.vector_load %arg12[%swap3A_405] {strides = array<i32>} : memref<384xi32, #tpu.memory_space<vmem>>, vector<16xi32>,
    %swap3A_407 = vector.shape_cast %swap3A_406 : vector<16xi32> to vector<16xi32>
    %swap3A_408 = vector.shape_cast %broadcast_in_dim3A_404 : vector<16xi32> to vector<16xi32>
    tpu.vector_store %arg12[%swap3A_405], %swap3A_408 {strides = array<i32>} : memref<384xi32, #tpu.memory_space<vmem>>, vector<16xi32>,
    %broadcast_in_dim3A_409 = arith.constant 0.000000e+00 : f32
    %broadcast_in_dim3A_410 = vector.broadcast %broadcast_in_dim3A_409 : f32 to vector<16xf32>
    %swap3A_411 = arith.constant 272 : index
    %swap3A_412 = tpu.vector_load %arg13[%swap3A_411] {strides = array<i32>} : memref<384xf32, #tpu.memory_space<vmem>>, vector<16xf32>,
    %swap3A_413 = vector.shape_cast %swap3A_412 : vector<16xf32> to vector<16xf32>
    %swap3A_414 = vector.shape_cast %broadcast_in_dim3A_410 : vector<16xf32> to vector<16xf32>
    tpu.vector_store %arg13[%swap3A_411], %swap3A_414 {strides = array<i32>} : memref<384xf32, #tpu.memory_space<vmem>>, vector<16xf32>,
    %broadcast_in_dim3A_415 = arith.constant 0 : i32
    %broadcast_in_dim3A_416 = vector.broadcast %broadcast_in_dim3A_415 : i32 to vector<16xi32>
    %swap3A_417 = arith.constant 288 : index
    %swap3A_418 = tpu.vector_load %arg12[%swap3A_417] {strides = array<i32>} : memref<384xi32, #tpu.memory_space<vmem>>, vector<16xi32>,
    %swap3A_419 = vector.shape_cast %swap3A_418 : vector<16xi32> to vector<16xi32>
    %swap3A_420 = vector.shape_cast %broadcast_in_dim3A_416 : vector<16xi32> to vector<16xi32>
    tpu.vector_store %arg12[%swap3A_417], %swap3A_420 {strides = array<i32>} : memref<384xi32, #tpu.memory_space<vmem>>, vector<16xi32>,
    %broadcast_in_dim3A_421 = arith.constant 0.000000e+00 : f32
    %broadcast_in_dim3A_422 = vector.broadcast %broadcast_in_dim3A_421 : f32 to vector<16xf32>
    %swap3A_423 = arith.constant 288 : index
    %swap3A_424 = tpu.vector_load %arg13[%swap3A_423] {strides = array<i32>} : memref<384xf32, #tpu.memory_space<vmem>>, vector<16xf32>,
    %swap3A_425 = vector.shape_cast %swap3A_424 : vector<16xf32> to vector<16xf32>
    %swap3A_426 = vector.shape_cast %broadcast_in_dim3A_422 : vector<16xf32> to vector<16xf32>
    tpu.vector_store %arg13[%swap3A_423], %swap3A_426 {strides = array<i32>} : memref<384xf32, #tpu.memory_space<vmem>>, vector<16xf32>,
    %broadcast_in_dim3A_427 = arith.constant 0 : i32
    %broadcast_in_dim3A_428 = vector.broadcast %broadcast_in_dim3A_427 : i32 to vector<16xi32>
    %swap3A_429 = arith.constant 304 : index
    %swap3A_430 = tpu.vector_load %arg12[%swap3A_429] {strides = array<i32>} : memref<384xi32, #tpu.memory_space<vmem>>, vector<16xi32>,
    %swap3A_431 = vector.shape_cast %swap3A_430 : vector<16xi32> to vector<16xi32>
    %swap3A_432 = vector.shape_cast %broadcast_in_dim3A_428 : vector<16xi32> to vector<16xi32>
    tpu.vector_store %arg12[%swap3A_429], %swap3A_432 {strides = array<i32>} : memref<384xi32, #tpu.memory_space<vmem>>, vector<16xi32>,
    %broadcast_in_dim3A_433 = arith.constant 0.000000e+00 : f32
    %broadcast_in_dim3A_434 = vector.broadcast %broadcast_in_dim3A_433 : f32 to vector<16xf32>
    %swap3A_435 = arith.constant 304 : index
    %swap3A_436 = tpu.vector_load %arg13[%swap3A_435] {strides = array<i32>} : memref<384xf32, #tpu.memory_space<vmem>>, vector<16xf32>,
    %swap3A_437 = vector.shape_cast %swap3A_436 : vector<16xf32> to vector<16xf32>
    %swap3A_438 = vector.shape_cast %broadcast_in_dim3A_434 : vector<16xf32> to vector<16xf32>
    tpu.vector_store %arg13[%swap3A_435], %swap3A_438 {strides = array<i32>} : memref<384xf32, #tpu.memory_space<vmem>>, vector<16xf32>,
    %broadcast_in_dim3A_439 = arith.constant 0 : i32
    %broadcast_in_dim3A_440 = vector.broadcast %broadcast_in_dim3A_439 : i32 to vector<16xi32>
    %swap3A_441 = arith.constant 320 : index
    %swap3A_442 = tpu.vector_load %arg12[%swap3A_441] {strides = array<i32>} : memref<384xi32, #tpu.memory_space<vmem>>, vector<16xi32>,
    %swap3A_443 = vector.shape_cast %swap3A_442 : vector<16xi32> to vector<16xi32>
    %swap3A_444 = vector.shape_cast %broadcast_in_dim3A_440 : vector<16xi32> to vector<16xi32>
    tpu.vector_store %arg12[%swap3A_441], %swap3A_444 {strides = array<i32>} : memref<384xi32, #tpu.memory_space<vmem>>, vector<16xi32>,
    %broadcast_in_dim3A_445 = arith.constant 0.000000e+00 : f32
    %broadcast_in_dim3A_446 = vector.broadcast %broadcast_in_dim3A_445 : f32 to vector<16xf32>
    %swap3A_447 = arith.constant 320 : index
    %swap3A_448 = tpu.vector_load %arg13[%swap3A_447] {strides = array<i32>} : memref<384xf32, #tpu.memory_space<vmem>>, vector<16xf32>,
    %swap3A_449 = vector.shape_cast %swap3A_448 : vector<16xf32> to vector<16xf32>
    %swap3A_450 = vector.shape_cast %broadcast_in_dim3A_446 : vector<16xf32> to vector<16xf32>
    tpu.vector_store %arg13[%swap3A_447], %swap3A_450 {strides = array<i32>} : memref<384xf32, #tpu.memory_space<vmem>>, vector<16xf32>,
    %broadcast_in_dim3A_451 = arith.constant 0 : i32
    %broadcast_in_dim3A_452 = vector.broadcast %broadcast_in_dim3A_451 : i32 to vector<16xi32>
    %swap3A_453 = arith.constant 336 : index
    %swap3A_454 = tpu.vector_load %arg12[%swap3A_453] {strides = array<i32>} : memref<384xi32, #tpu.memory_space<vmem>>, vector<16xi32>,
    %swap3A_455 = vector.shape_cast %swap3A_454 : vector<16xi32> to vector<16xi32>
    %swap3A_456 = vector.shape_cast %broadcast_in_dim3A_452 : vector<16xi32> to vector<16xi32>
    tpu.vector_store %arg12[%swap3A_453], %swap3A_456 {strides = array<i32>} : memref<384xi32, #tpu.memory_space<vmem>>, vector<16xi32>,
    %broadcast_in_dim3A_457 = arith.constant 0.000000e+00 : f32
    %broadcast_in_dim3A_458 = vector.broadcast %broadcast_in_dim3A_457 : f32 to vector<16xf32>
    %swap3A_459 = arith.constant 336 : index
    %swap3A_460 = tpu.vector_load %arg13[%swap3A_459] {strides = array<i32>} : memref<384xf32, #tpu.memory_space<vmem>>, vector<16xf32>,
    %swap3A_461 = vector.shape_cast %swap3A_460 : vector<16xf32> to vector<16xf32>
    %swap3A_462 = vector.shape_cast %broadcast_in_dim3A_458 : vector<16xf32> to vector<16xf32>
    tpu.vector_store %arg13[%swap3A_459], %swap3A_462 {strides = array<i32>} : memref<384xf32, #tpu.memory_space<vmem>>, vector<16xf32>,
    %broadcast_in_dim3A_463 = arith.constant 0 : i32
    %broadcast_in_dim3A_464 = vector.broadcast %broadcast_in_dim3A_463 : i32 to vector<16xi32>
    %swap3A_465 = arith.constant 352 : index
    %swap3A_466 = tpu.vector_load %arg12[%swap3A_465] {strides = array<i32>} : memref<384xi32, #tpu.memory_space<vmem>>, vector<16xi32>,
    %swap3A_467 = vector.shape_cast %swap3A_466 : vector<16xi32> to vector<16xi32>
    %swap3A_468 = vector.shape_cast %broadcast_in_dim3A_464 : vector<16xi32> to vector<16xi32>
    tpu.vector_store %arg12[%swap3A_465], %swap3A_468 {strides = array<i32>} : memref<384xi32, #tpu.memory_space<vmem>>, vector<16xi32>,
    %broadcast_in_dim3A_469 = arith.constant 0.000000e+00 : f32
    %broadcast_in_dim3A_470 = vector.broadcast %broadcast_in_dim3A_469 : f32 to vector<16xf32>
    %swap3A_471 = arith.constant 352 : index
    %swap3A_472 = tpu.vector_load %arg13[%swap3A_471] {strides = array<i32>} : memref<384xf32, #tpu.memory_space<vmem>>, vector<16xf32>,
    %swap3A_473 = vector.shape_cast %swap3A_472 : vector<16xf32> to vector<16xf32>
    %swap3A_474 = vector.shape_cast %broadcast_in_dim3A_470 : vector<16xf32> to vector<16xf32>
    tpu.vector_store %arg13[%swap3A_471], %swap3A_474 {strides = array<i32>} : memref<384xf32, #tpu.memory_space<vmem>>, vector<16xf32>,
    %broadcast_in_dim3A_475 = arith.constant 0 : i32
    %broadcast_in_dim3A_476 = vector.broadcast %broadcast_in_dim3A_475 : i32 to vector<16xi32>
    %swap3A_477 = arith.constant 368 : index
    %swap3A_478 = tpu.vector_load %arg12[%swap3A_477] {strides = array<i32>} : memref<384xi32, #tpu.memory_space<vmem>>, vector<16xi32>,
    %swap3A_479 = vector.shape_cast %swap3A_478 : vector<16xi32> to vector<16xi32>
    %swap3A_480 = vector.shape_cast %broadcast_in_dim3A_476 : vector<16xi32> to vector<16xi32>
    tpu.vector_store %arg12[%swap3A_477], %swap3A_480 {strides = array<i32>} : memref<384xi32, #tpu.memory_space<vmem>>, vector<16xi32>,
    %broadcast_in_dim3A_481 = arith.constant 0.000000e+00 : f32
    %broadcast_in_dim3A_482 = vector.broadcast %broadcast_in_dim3A_481 : f32 to vector<16xf32>
    %swap3A_483 = arith.constant 368 : index
    %swap3A_484 = tpu.vector_load %arg13[%swap3A_483] {strides = array<i32>} : memref<384xf32, #tpu.memory_space<vmem>>, vector<16xf32>,
    %swap3A_485 = vector.shape_cast %swap3A_484 : vector<16xf32> to vector<16xf32>
    %swap3A_486 = vector.shape_cast %broadcast_in_dim3A_482 : vector<16xf32> to vector<16xf32>
    tpu.vector_store %arg13[%swap3A_483], %swap3A_486 {strides = array<i32>} : memref<384xf32, #tpu.memory_space<vmem>>, vector<16xf32>,
    %mul3A_487 = arith.constant 384 : i32
    %mul3A_488 = arith.muli %arg1, %mul3A_487 : i32
    "tpu.region"() ({
      %run_scoped3A = tpu.sem_alloc : memref<!tpu.dma_semaphore, #tpu.memory_space<semaphore_mem>>
      %dma_start3A = tpu.memref_slice %arg14[%mul3A_488] : memref<6144xi32, #tpu.memory_space<vmem_shared>> -> memref<384xi32, #tpu.memory_space<vmem_shared>>
      %dma_start3A_500 = tpu.memref_slice %arg14[%mul3A_488] : memref<6144xi32, #tpu.memory_space<vmem_shared>> -> memref<384xi32, #tpu.memory_space<vmem_shared>>
      tpu.enqueue_dma source(%arg12 : memref<384xi32, #tpu.memory_space<vmem>>) target(%dma_start3A_500 : memref<384xi32, #tpu.memory_space<vmem_shared>>) target_semaphore(%run_scoped3A : memref<!tpu.dma_semaphore, #tpu.memory_space<semaphore_mem>>)
      %dma_wait3A = tpu.memref_slice %arg14[%mul3A_488] : memref<6144xi32, #tpu.memory_space<vmem_shared>> -> memref<384xi32, #tpu.memory_space<vmem_shared>>
      %dma_wait3A_501 = tpu.memref_slice %arg14[%mul3A_488] : memref<6144xi32, #tpu.memory_space<vmem_shared>> -> memref<384xi32, #tpu.memory_space<vmem_shared>>
      tpu.wait_dma2 semaphore(%run_scoped3A : memref<!tpu.dma_semaphore, #tpu.memory_space<semaphore_mem>>) src(%arg12 : memref<384xi32, #tpu.memory_space<vmem>>) dst(%dma_wait3A_501 : memref<384xi32, #tpu.memory_space<vmem_shared>>)
      tpu.yield
    }) : () -> ()
    %mul3A_489 = arith.constant 384 : i32
    %mul3A_490 = arith.muli %arg1, %mul3A_489 : i32
    "tpu.region"() ({
      %run_scoped3A = tpu.sem_alloc : memref<!tpu.dma_semaphore, #tpu.memory_space<semaphore_mem>>
      %dma_start3A = tpu.memref_slice %arg15[%mul3A_490] : memref<6144xf32, #tpu.memory_space<vmem_shared>> -> memref<384xf32, #tpu.memory_space<vmem_shared>>
      %dma_start3A_500 = tpu.memref_slice %arg15[%mul3A_490] : memref<6144xf32, #tpu.memory_space<vmem_shared>> -> memref<384xf32, #tpu.memory_space<vmem_shared>>
      tpu.enqueue_dma source(%arg13 : memref<384xf32, #tpu.memory_space<vmem>>) target(%dma_start3A_500 : memref<384xf32, #tpu.memory_space<vmem_shared>>) target_semaphore(%run_scoped3A : memref<!tpu.dma_semaphore, #tpu.memory_space<semaphore_mem>>)
      %dma_wait3A = tpu.memref_slice %arg15[%mul3A_490] : memref<6144xf32, #tpu.memory_space<vmem_shared>> -> memref<384xf32, #tpu.memory_space<vmem_shared>>
      %dma_wait3A_501 = tpu.memref_slice %arg15[%mul3A_490] : memref<6144xf32, #tpu.memory_space<vmem_shared>> -> memref<384xf32, #tpu.memory_space<vmem_shared>>
      tpu.wait_dma2 semaphore(%run_scoped3A : memref<!tpu.dma_semaphore, #tpu.memory_space<semaphore_mem>>) src(%arg13 : memref<384xf32, #tpu.memory_space<vmem>>) dst(%dma_wait3A_501 : memref<384xf32, #tpu.memory_space<vmem_shared>>)
      tpu.yield
    }) : () -> ()
    %barrier3A = arith.constant 0 : index
    tpu.barrier barrier_id(%barrier3A)
    "tpu.region"() ({
      %run_scoped3A = tpu.sem_alloc : memref<!tpu.dma_semaphore, #tpu.memory_space<semaphore_mem>>
      %dma_start3A = arith.constant 0 : i32
      %dma_start3A_500 = tpu.memref_slice %arg14[%dma_start3A] : memref<6144xi32, #tpu.memory_space<vmem_shared>> -> memref<6144xi32, #tpu.memory_space<vmem_shared>>
      tpu.enqueue_indirect_dma source(%arg10 : memref<128xi32, #tpu.memory_space<vmem>>) target(%dma_start3A_500 : memref<6144xi32, #tpu.memory_space<vmem_shared>>) offsets(%arg6 : memref<128xi32, #tpu.memory_space<vmem>>) semaphore(%run_scoped3A : memref<!tpu.dma_semaphore, #tpu.memory_space<semaphore_mem>>) {add = true}
      %dma_wait3A = arith.constant 0 : i32
      %dma_wait3A_501 = tpu.memref_slice %arg14[%dma_wait3A] : memref<6144xi32, #tpu.memory_space<vmem_shared>> -> memref<6144xi32, #tpu.memory_space<vmem_shared>>
      tpu.wait_indirect_dma semaphore(%run_scoped3A : memref<!tpu.dma_semaphore, #tpu.memory_space<semaphore_mem>>) src(%arg10 : memref<128xi32, #tpu.memory_space<vmem>>) dst(%dma_wait3A_501 : memref<6144xi32, #tpu.memory_space<vmem_shared>>)
      tpu.yield
    }) : () -> ()
    "tpu.region"() ({
      %run_scoped3A = tpu.sem_alloc : memref<!tpu.dma_semaphore, #tpu.memory_space<semaphore_mem>>
      %dma_start3A = arith.constant 0 : i32
      %dma_start3A_500 = tpu.memref_slice %arg14[%dma_start3A] : memref<6144xi32, #tpu.memory_space<vmem_shared>> -> memref<6144xi32, #tpu.memory_space<vmem_shared>>
      tpu.enqueue_indirect_dma source(%arg11 : memref<128xi32, #tpu.memory_space<vmem>>) target(%dma_start3A_500 : memref<6144xi32, #tpu.memory_space<vmem_shared>>) offsets(%arg7 : memref<128xi32, #tpu.memory_space<vmem>>) semaphore(%run_scoped3A : memref<!tpu.dma_semaphore, #tpu.memory_space<semaphore_mem>>) {add = true}
      %dma_wait3A = arith.constant 0 : i32
      %dma_wait3A_501 = tpu.memref_slice %arg14[%dma_wait3A] : memref<6144xi32, #tpu.memory_space<vmem_shared>> -> memref<6144xi32, #tpu.memory_space<vmem_shared>>
      tpu.wait_indirect_dma semaphore(%run_scoped3A : memref<!tpu.dma_semaphore, #tpu.memory_space<semaphore_mem>>) src(%arg11 : memref<128xi32, #tpu.memory_space<vmem>>) dst(%dma_wait3A_501 : memref<6144xi32, #tpu.memory_space<vmem_shared>>)
      tpu.yield
    }) : () -> ()
    "tpu.region"() ({
      %run_scoped3A = tpu.sem_alloc : memref<!tpu.dma_semaphore, #tpu.memory_space<semaphore_mem>>
      %dma_start3A = arith.constant 0 : i32
      %dma_start3A_500 = tpu.memref_slice %arg15[%dma_start3A] : memref<6144xf32, #tpu.memory_space<vmem_shared>> -> memref<6144xf32, #tpu.memory_space<vmem_shared>>
      tpu.enqueue_indirect_dma source(%arg8 : memref<128xf32, #tpu.memory_space<vmem>>) target(%dma_start3A_500 : memref<6144xf32, #tpu.memory_space<vmem_shared>>) offsets(%arg6 : memref<128xi32, #tpu.memory_space<vmem>>) semaphore(%run_scoped3A : memref<!tpu.dma_semaphore, #tpu.memory_space<semaphore_mem>>) {add = true}
      %dma_wait3A = arith.constant 0 : i32
      %dma_wait3A_501 = tpu.memref_slice %arg15[%dma_wait3A] : memref<6144xf32, #tpu.memory_space<vmem_shared>> -> memref<6144xf32, #tpu.memory_space<vmem_shared>>
      tpu.wait_indirect_dma semaphore(%run_scoped3A : memref<!tpu.dma_semaphore, #tpu.memory_space<semaphore_mem>>) src(%arg8 : memref<128xf32, #tpu.memory_space<vmem>>) dst(%dma_wait3A_501 : memref<6144xf32, #tpu.memory_space<vmem_shared>>)
      tpu.yield
    }) : () -> ()
    "tpu.region"() ({
      %run_scoped3A = tpu.sem_alloc : memref<!tpu.dma_semaphore, #tpu.memory_space<semaphore_mem>>
      %dma_start3A = arith.constant 0 : i32
      %dma_start3A_500 = tpu.memref_slice %arg15[%dma_start3A] : memref<6144xf32, #tpu.memory_space<vmem_shared>> -> memref<6144xf32, #tpu.memory_space<vmem_shared>>
      tpu.enqueue_indirect_dma source(%arg9 : memref<128xf32, #tpu.memory_space<vmem>>) target(%dma_start3A_500 : memref<6144xf32, #tpu.memory_space<vmem_shared>>) offsets(%arg7 : memref<128xi32, #tpu.memory_space<vmem>>) semaphore(%run_scoped3A : memref<!tpu.dma_semaphore, #tpu.memory_space<semaphore_mem>>) {add = true}
      %dma_wait3A = arith.constant 0 : i32
      %dma_wait3A_501 = tpu.memref_slice %arg15[%dma_wait3A] : memref<6144xf32, #tpu.memory_space<vmem_shared>> -> memref<6144xf32, #tpu.memory_space<vmem_shared>>
      tpu.wait_indirect_dma semaphore(%run_scoped3A : memref<!tpu.dma_semaphore, #tpu.memory_space<semaphore_mem>>) src(%arg9 : memref<128xf32, #tpu.memory_space<vmem>>) dst(%dma_wait3A_501 : memref<6144xf32, #tpu.memory_space<vmem_shared>>)
      tpu.yield
    }) : () -> ()
    %barrier3A_491 = arith.constant 0 : index
    tpu.barrier barrier_id(%barrier3A_491)
    %mul3A_492 = arith.constant 384 : i32
    %mul3A_493 = arith.muli %arg1, %mul3A_492 : i32
    %mul3A_494 = arith.constant 384 : i32
    %mul3A_495 = arith.muli %arg1, %mul3A_494 : i32
    "tpu.region"() ({
      %run_scoped3A = tpu.sem_alloc : memref<!tpu.dma_semaphore, #tpu.memory_space<semaphore_mem>>
      %dma_start3A = tpu.memref_slice %arg4[%mul3A_495] : memref<6144xi32, #tpu.memory_space<hbm>> -> memref<384xi32, #tpu.memory_space<hbm>>
      %dma_start3A_500 = tpu.memref_slice %arg14[%mul3A_493] : memref<6144xi32, #tpu.memory_space<vmem_shared>> -> memref<384xi32, #tpu.memory_space<vmem_shared>>
      tpu.enqueue_dma source(%dma_start3A_500 : memref<384xi32, #tpu.memory_space<vmem_shared>>) target(%dma_start3A : memref<384xi32, #tpu.memory_space<hbm>>) target_semaphore(%run_scoped3A : memref<!tpu.dma_semaphore, #tpu.memory_space<semaphore_mem>>)
      %dma_wait3A = tpu.memref_slice %arg4[%mul3A_495] : memref<6144xi32, #tpu.memory_space<hbm>> -> memref<384xi32, #tpu.memory_space<hbm>>
      %dma_wait3A_501 = tpu.memref_slice %arg14[%mul3A_493] : memref<6144xi32, #tpu.memory_space<vmem_shared>> -> memref<384xi32, #tpu.memory_space<vmem_shared>>
      tpu.wait_dma2 semaphore(%run_scoped3A : memref<!tpu.dma_semaphore, #tpu.memory_space<semaphore_mem>>) src(%dma_wait3A_501 : memref<384xi32, #tpu.memory_space<vmem_shared>>) dst(%dma_wait3A : memref<384xi32, #tpu.memory_space<hbm>>)
      tpu.yield
    }) : () -> ()
    %mul3A_496 = arith.constant 384 : i32
    %mul3A_497 = arith.muli %arg1, %mul3A_496 : i32
    %mul3A_498 = arith.constant 384 : i32
    %mul3A_499 = arith.muli %arg1, %mul3A_498 : i32
    "tpu.region"() ({
      %run_scoped3A = tpu.sem_alloc : memref<!tpu.dma_semaphore, #tpu.memory_space<semaphore_mem>>
      %dma_start3A = tpu.memref_slice %arg5[%mul3A_499] : memref<6144xf32, #tpu.memory_space<hbm>> -> memref<384xf32, #tpu.memory_space<hbm>>
      %dma_start3A_500 = tpu.memref_slice %arg15[%mul3A_497] : memref<6144xf32, #tpu.memory_space<vmem_shared>> -> memref<384xf32, #tpu.memory_space<vmem_shared>>
      tpu.enqueue_dma source(%dma_start3A_500 : memref<384xf32, #tpu.memory_space<vmem_shared>>) target(%dma_start3A : memref<384xf32, #tpu.memory_space<hbm>>) target_semaphore(%run_scoped3A : memref<!tpu.dma_semaphore, #tpu.memory_space<semaphore_mem>>)
      %dma_wait3A = tpu.memref_slice %arg5[%mul3A_499] : memref<6144xf32, #tpu.memory_space<hbm>> -> memref<384xf32, #tpu.memory_space<hbm>>
      %dma_wait3A_501 = tpu.memref_slice %arg15[%mul3A_497] : memref<6144xf32, #tpu.memory_space<vmem_shared>> -> memref<384xf32, #tpu.memory_space<vmem_shared>>
      tpu.wait_dma2 semaphore(%run_scoped3A : memref<!tpu.dma_semaphore, #tpu.memory_space<semaphore_mem>>) src(%dma_wait3A_501 : memref<384xf32, #tpu.memory_space<vmem_shared>>) dst(%dma_wait3A : memref<384xf32, #tpu.memory_space<hbm>>)
      tpu.yield
    }) : () -> ()
    return
  }
}

module attributes {stable_mosaic.version = 14 : i64} {
  func.func @_moe_block_kernel(%arg0: i32, %arg1: memref<24xi32, #tpu.memory_space<smem>>, %arg2: memref<6144xi32, #tpu.memory_space<smem>>, %arg3: memref<1xi32, #tpu.memory_space<smem>>, %arg4: memref<2048x1024xf32, #tpu.memory_space<vmem>>, %arg5: memref<1x4096x1024xbf16, #tpu.memory_space<vmem>>, %arg6: memref<1x1x4096xf32, #tpu.memory_space<vmem>>, %arg7: memref<1x1024x4096xbf16, #tpu.memory_space<vmem>>, %arg8: memref<1x1x1024xf32, #tpu.memory_space<vmem>>, %arg9: memref<1x256x128xf32, #tpu.memory_space<vmem>>, %arg10: memref<2048x1024xf32, #tpu.memory_space<vmem>>, %arg11: memref<256x1024xf32, #tpu.memory_space<vmem>>, %arg12: memref<256x1024xf32, #tpu.memory_space<vmem>>) attributes {dimension_semantics = [#tpu.dimension_semantics<arbitrary>], iteration_bounds = array<i64: 24>, scalar_prefetch = 3 : i64, scratch_operands = 2 : i64, tpu.core_type = #tpu.core_type<tc>, window_params = [{pipeline_mode = #tpu.pipeline_mode<synchronous>, transform_indices = @transform_0, window_bounds = array<i64: 2048, 1024>}, {transform_indices = @transform_1, window_bounds = array<i64: 1, 4096, 1024>}, {transform_indices = @transform_2, window_bounds = array<i64: 1, 1, 4096>}, {transform_indices = @transform_3, window_bounds = array<i64: 1, 1024, 4096>}, {transform_indices = @transform_4, window_bounds = array<i64: 1, 1, 1024>}, {transform_indices = @transform_5, window_bounds = array<i64: 1, 256, 128>}, {pipeline_mode = #tpu.pipeline_mode<synchronous>, transform_indices = @transform_6, window_bounds = array<i64: 2048, 1024>}]} {
    %eq3A = arith.constant 0 : i32
    %eq3A_0 = arith.cmpi eq, %arg0, %eq3A : i32
    %convert_element_type3A = arith.extui %eq3A_0 : i1 to i32
    %cond3A = arith.constant 0 : i32
    %cond3A_1 = arith.cmpi ne, %convert_element_type3A, %cond3A : i32
    scf.if %cond3A_1 {
      %broadcast_in_dim3A = arith.constant 0.000000e+00 : f32
      %broadcast_in_dim3A_6 = vector.broadcast %broadcast_in_dim3A : f32 to vector<2048x1024xf32>
      %swap3A = arith.constant 0 : index
      %swap3A_7 = arith.constant 0 : index
      %swap3A_8 = vector.load %arg10[%swap3A, %swap3A_7] : memref<2048x1024xf32, #tpu.memory_space<vmem>>, vector<2048x1024xf32>
      tpu.vector_store %arg10[%swap3A, %swap3A_7], %broadcast_in_dim3A_6 {strides = array<i32>} : memref<2048x1024xf32, #tpu.memory_space<vmem>>, vector<2048x1024xf32>,
    } else {
    }
    %get3A = arith.constant 0 : index
    %get3A_2 = memref.load %arg3[%get3A] : memref<1xi32, #tpu.memory_space<smem>>
    %lt3A = arith.cmpi slt, %arg0, %get3A_2 : i32
    %convert_element_type3A_3 = arith.extui %lt3A : i1 to i32
    %cond3A_4 = arith.constant 0 : i32
    %cond3A_5 = arith.cmpi ne, %convert_element_type3A_3, %cond3A_4 : i32
    scf.if %cond3A_5 {
      %scan3A = arith.constant 0 : i32
      %scan3A_6 = arith.constant 256 : i32
      %scan3A_7 = arith.addi %scan3A, %scan3A_6 : i32
      %scan3A_8 = arith.constant 16 : i32
      scf.for %scan3A_64 = %scan3A to %scan3A_7 step %scan3A_8  : i32 {
        %mul3A_65 = arith.constant 256 : i32
        %mul3A_66 = arith.muli %arg0, %mul3A_65 : i32
        %add3A_67 = arith.addi %mul3A_66, %scan3A_64 : i32
        %get3A_68 = arith.index_cast %add3A_67 : i32 to index
        %get3A_69 = memref.load %arg2[%get3A_68] : memref<6144xi32, #tpu.memory_space<smem>>
        %get3A_70 = arith.index_cast %get3A_69 : i32 to index
        %get3A_71 = arith.constant 0 : index
        %get3A_72 = vector.load %arg4[%get3A_70, %get3A_71] : memref<2048x1024xf32, #tpu.memory_space<vmem>>, vector<1x1024xf32>
        %swap3A_73 = arith.index_cast %scan3A_64 : i32 to index
        %swap3A_74 = arith.constant 0 : index
        %swap3A_75 = vector.load %arg11[%swap3A_73, %swap3A_74] : memref<256x1024xf32, #tpu.memory_space<vmem>>, vector<1x1024xf32>
        tpu.vector_store %arg11[%swap3A_73, %swap3A_74], %get3A_72 {strides = array<i32>} : memref<256x1024xf32, #tpu.memory_space<vmem>>, vector<1x1024xf32>,
        %scan3A_76 = arith.constant 1 : i32
        %scan3A_77 = arith.addi %scan3A_64, %scan3A_76 : i32
        %mul3A_78 = arith.constant 256 : i32
        %mul3A_79 = arith.muli %arg0, %mul3A_78 : i32
        %add3A_80 = arith.addi %mul3A_79, %scan3A_77 : i32
        %get3A_81 = arith.index_cast %add3A_80 : i32 to index
        %get3A_82 = memref.load %arg2[%get3A_81] : memref<6144xi32, #tpu.memory_space<smem>>
        %get3A_83 = arith.index_cast %get3A_82 : i32 to index
        %get3A_84 = arith.constant 0 : index
        %get3A_85 = vector.load %arg4[%get3A_83, %get3A_84] : memref<2048x1024xf32, #tpu.memory_space<vmem>>, vector<1x1024xf32>
        %swap3A_86 = arith.index_cast %scan3A_77 : i32 to index
        %swap3A_87 = arith.constant 0 : index
        %swap3A_88 = vector.load %arg11[%swap3A_86, %swap3A_87] : memref<256x1024xf32, #tpu.memory_space<vmem>>, vector<1x1024xf32>
        tpu.vector_store %arg11[%swap3A_86, %swap3A_87], %get3A_85 {strides = array<i32>} : memref<256x1024xf32, #tpu.memory_space<vmem>>, vector<1x1024xf32>,
        %scan3A_89 = arith.constant 2 : i32
        %scan3A_90 = arith.addi %scan3A_64, %scan3A_89 : i32
        %mul3A_91 = arith.constant 256 : i32
        %mul3A_92 = arith.muli %arg0, %mul3A_91 : i32
        %add3A_93 = arith.addi %mul3A_92, %scan3A_90 : i32
        %get3A_94 = arith.index_cast %add3A_93 : i32 to index
        %get3A_95 = memref.load %arg2[%get3A_94] : memref<6144xi32, #tpu.memory_space<smem>>
        %get3A_96 = arith.index_cast %get3A_95 : i32 to index
        %get3A_97 = arith.constant 0 : index
        %get3A_98 = vector.load %arg4[%get3A_96, %get3A_97] : memref<2048x1024xf32, #tpu.memory_space<vmem>>, vector<1x1024xf32>
        %swap3A_99 = arith.index_cast %scan3A_90 : i32 to index
        %swap3A_100 = arith.constant 0 : index
        %swap3A_101 = vector.load %arg11[%swap3A_99, %swap3A_100] : memref<256x1024xf32, #tpu.memory_space<vmem>>, vector<1x1024xf32>
        tpu.vector_store %arg11[%swap3A_99, %swap3A_100], %get3A_98 {strides = array<i32>} : memref<256x1024xf32, #tpu.memory_space<vmem>>, vector<1x1024xf32>,
        %scan3A_102 = arith.constant 3 : i32
        %scan3A_103 = arith.addi %scan3A_64, %scan3A_102 : i32
        %mul3A_104 = arith.constant 256 : i32
        %mul3A_105 = arith.muli %arg0, %mul3A_104 : i32
        %add3A_106 = arith.addi %mul3A_105, %scan3A_103 : i32
        %get3A_107 = arith.index_cast %add3A_106 : i32 to index
        %get3A_108 = memref.load %arg2[%get3A_107] : memref<6144xi32, #tpu.memory_space<smem>>
        %get3A_109 = arith.index_cast %get3A_108 : i32 to index
        %get3A_110 = arith.constant 0 : index
        %get3A_111 = vector.load %arg4[%get3A_109, %get3A_110] : memref<2048x1024xf32, #tpu.memory_space<vmem>>, vector<1x1024xf32>
        %swap3A_112 = arith.index_cast %scan3A_103 : i32 to index
        %swap3A_113 = arith.constant 0 : index
        %swap3A_114 = vector.load %arg11[%swap3A_112, %swap3A_113] : memref<256x1024xf32, #tpu.memory_space<vmem>>, vector<1x1024xf32>
        tpu.vector_store %arg11[%swap3A_112, %swap3A_113], %get3A_111 {strides = array<i32>} : memref<256x1024xf32, #tpu.memory_space<vmem>>, vector<1x1024xf32>,
        %scan3A_115 = arith.constant 4 : i32
        %scan3A_116 = arith.addi %scan3A_64, %scan3A_115 : i32
        %mul3A_117 = arith.constant 256 : i32
        %mul3A_118 = arith.muli %arg0, %mul3A_117 : i32
        %add3A_119 = arith.addi %mul3A_118, %scan3A_116 : i32
        %get3A_120 = arith.index_cast %add3A_119 : i32 to index
        %get3A_121 = memref.load %arg2[%get3A_120] : memref<6144xi32, #tpu.memory_space<smem>>
        %get3A_122 = arith.index_cast %get3A_121 : i32 to index
        %get3A_123 = arith.constant 0 : index
        %get3A_124 = vector.load %arg4[%get3A_122, %get3A_123] : memref<2048x1024xf32, #tpu.memory_space<vmem>>, vector<1x1024xf32>
        %swap3A_125 = arith.index_cast %scan3A_116 : i32 to index
        %swap3A_126 = arith.constant 0 : index
        %swap3A_127 = vector.load %arg11[%swap3A_125, %swap3A_126] : memref<256x1024xf32, #tpu.memory_space<vmem>>, vector<1x1024xf32>
        tpu.vector_store %arg11[%swap3A_125, %swap3A_126], %get3A_124 {strides = array<i32>} : memref<256x1024xf32, #tpu.memory_space<vmem>>, vector<1x1024xf32>,
        %scan3A_128 = arith.constant 5 : i32
        %scan3A_129 = arith.addi %scan3A_64, %scan3A_128 : i32
        %mul3A_130 = arith.constant 256 : i32
        %mul3A_131 = arith.muli %arg0, %mul3A_130 : i32
        %add3A_132 = arith.addi %mul3A_131, %scan3A_129 : i32
        %get3A_133 = arith.index_cast %add3A_132 : i32 to index
        %get3A_134 = memref.load %arg2[%get3A_133] : memref<6144xi32, #tpu.memory_space<smem>>
        %get3A_135 = arith.index_cast %get3A_134 : i32 to index
        %get3A_136 = arith.constant 0 : index
        %get3A_137 = vector.load %arg4[%get3A_135, %get3A_136] : memref<2048x1024xf32, #tpu.memory_space<vmem>>, vector<1x1024xf32>
        %swap3A_138 = arith.index_cast %scan3A_129 : i32 to index
        %swap3A_139 = arith.constant 0 : index
        %swap3A_140 = vector.load %arg11[%swap3A_138, %swap3A_139] : memref<256x1024xf32, #tpu.memory_space<vmem>>, vector<1x1024xf32>
        tpu.vector_store %arg11[%swap3A_138, %swap3A_139], %get3A_137 {strides = array<i32>} : memref<256x1024xf32, #tpu.memory_space<vmem>>, vector<1x1024xf32>,
        %scan3A_141 = arith.constant 6 : i32
        %scan3A_142 = arith.addi %scan3A_64, %scan3A_141 : i32
        %mul3A_143 = arith.constant 256 : i32
        %mul3A_144 = arith.muli %arg0, %mul3A_143 : i32
        %add3A_145 = arith.addi %mul3A_144, %scan3A_142 : i32
        %get3A_146 = arith.index_cast %add3A_145 : i32 to index
        %get3A_147 = memref.load %arg2[%get3A_146] : memref<6144xi32, #tpu.memory_space<smem>>
        %get3A_148 = arith.index_cast %get3A_147 : i32 to index
        %get3A_149 = arith.constant 0 : index
        %get3A_150 = vector.load %arg4[%get3A_148, %get3A_149] : memref<2048x1024xf32, #tpu.memory_space<vmem>>, vector<1x1024xf32>
        %swap3A_151 = arith.index_cast %scan3A_142 : i32 to index
        %swap3A_152 = arith.constant 0 : index
        %swap3A_153 = vector.load %arg11[%swap3A_151, %swap3A_152] : memref<256x1024xf32, #tpu.memory_space<vmem>>, vector<1x1024xf32>
        tpu.vector_store %arg11[%swap3A_151, %swap3A_152], %get3A_150 {strides = array<i32>} : memref<256x1024xf32, #tpu.memory_space<vmem>>, vector<1x1024xf32>,
        %scan3A_154 = arith.constant 7 : i32
        %scan3A_155 = arith.addi %scan3A_64, %scan3A_154 : i32
        %mul3A_156 = arith.constant 256 : i32
        %mul3A_157 = arith.muli %arg0, %mul3A_156 : i32
        %add3A_158 = arith.addi %mul3A_157, %scan3A_155 : i32
        %get3A_159 = arith.index_cast %add3A_158 : i32 to index
        %get3A_160 = memref.load %arg2[%get3A_159] : memref<6144xi32, #tpu.memory_space<smem>>
        %get3A_161 = arith.index_cast %get3A_160 : i32 to index
        %get3A_162 = arith.constant 0 : index
        %get3A_163 = vector.load %arg4[%get3A_161, %get3A_162] : memref<2048x1024xf32, #tpu.memory_space<vmem>>, vector<1x1024xf32>
        %swap3A_164 = arith.index_cast %scan3A_155 : i32 to index
        %swap3A_165 = arith.constant 0 : index
        %swap3A_166 = vector.load %arg11[%swap3A_164, %swap3A_165] : memref<256x1024xf32, #tpu.memory_space<vmem>>, vector<1x1024xf32>
        tpu.vector_store %arg11[%swap3A_164, %swap3A_165], %get3A_163 {strides = array<i32>} : memref<256x1024xf32, #tpu.memory_space<vmem>>, vector<1x1024xf32>,
        %scan3A_167 = arith.constant 8 : i32
        %scan3A_168 = arith.addi %scan3A_64, %scan3A_167 : i32
        %mul3A_169 = arith.constant 256 : i32
        %mul3A_170 = arith.muli %arg0, %mul3A_169 : i32
        %add3A_171 = arith.addi %mul3A_170, %scan3A_168 : i32
        %get3A_172 = arith.index_cast %add3A_171 : i32 to index
        %get3A_173 = memref.load %arg2[%get3A_172] : memref<6144xi32, #tpu.memory_space<smem>>
        %get3A_174 = arith.index_cast %get3A_173 : i32 to index
        %get3A_175 = arith.constant 0 : index
        %get3A_176 = vector.load %arg4[%get3A_174, %get3A_175] : memref<2048x1024xf32, #tpu.memory_space<vmem>>, vector<1x1024xf32>
        %swap3A_177 = arith.index_cast %scan3A_168 : i32 to index
        %swap3A_178 = arith.constant 0 : index
        %swap3A_179 = vector.load %arg11[%swap3A_177, %swap3A_178] : memref<256x1024xf32, #tpu.memory_space<vmem>>, vector<1x1024xf32>
        tpu.vector_store %arg11[%swap3A_177, %swap3A_178], %get3A_176 {strides = array<i32>} : memref<256x1024xf32, #tpu.memory_space<vmem>>, vector<1x1024xf32>,
        %scan3A_180 = arith.constant 9 : i32
        %scan3A_181 = arith.addi %scan3A_64, %scan3A_180 : i32
        %mul3A_182 = arith.constant 256 : i32
        %mul3A_183 = arith.muli %arg0, %mul3A_182 : i32
        %add3A_184 = arith.addi %mul3A_183, %scan3A_181 : i32
        %get3A_185 = arith.index_cast %add3A_184 : i32 to index
        %get3A_186 = memref.load %arg2[%get3A_185] : memref<6144xi32, #tpu.memory_space<smem>>
        %get3A_187 = arith.index_cast %get3A_186 : i32 to index
        %get3A_188 = arith.constant 0 : index
        %get3A_189 = vector.load %arg4[%get3A_187, %get3A_188] : memref<2048x1024xf32, #tpu.memory_space<vmem>>, vector<1x1024xf32>
        %swap3A_190 = arith.index_cast %scan3A_181 : i32 to index
        %swap3A_191 = arith.constant 0 : index
        %swap3A_192 = vector.load %arg11[%swap3A_190, %swap3A_191] : memref<256x1024xf32, #tpu.memory_space<vmem>>, vector<1x1024xf32>
        tpu.vector_store %arg11[%swap3A_190, %swap3A_191], %get3A_189 {strides = array<i32>} : memref<256x1024xf32, #tpu.memory_space<vmem>>, vector<1x1024xf32>,
        %scan3A_193 = arith.constant 10 : i32
        %scan3A_194 = arith.addi %scan3A_64, %scan3A_193 : i32
        %mul3A_195 = arith.constant 256 : i32
        %mul3A_196 = arith.muli %arg0, %mul3A_195 : i32
        %add3A_197 = arith.addi %mul3A_196, %scan3A_194 : i32
        %get3A_198 = arith.index_cast %add3A_197 : i32 to index
        %get3A_199 = memref.load %arg2[%get3A_198] : memref<6144xi32, #tpu.memory_space<smem>>
        %get3A_200 = arith.index_cast %get3A_199 : i32 to index
        %get3A_201 = arith.constant 0 : index
        %get3A_202 = vector.load %arg4[%get3A_200, %get3A_201] : memref<2048x1024xf32, #tpu.memory_space<vmem>>, vector<1x1024xf32>
        %swap3A_203 = arith.index_cast %scan3A_194 : i32 to index
        %swap3A_204 = arith.constant 0 : index
        %swap3A_205 = vector.load %arg11[%swap3A_203, %swap3A_204] : memref<256x1024xf32, #tpu.memory_space<vmem>>, vector<1x1024xf32>
        tpu.vector_store %arg11[%swap3A_203, %swap3A_204], %get3A_202 {strides = array<i32>} : memref<256x1024xf32, #tpu.memory_space<vmem>>, vector<1x1024xf32>,
        %scan3A_206 = arith.constant 11 : i32
        %scan3A_207 = arith.addi %scan3A_64, %scan3A_206 : i32
        %mul3A_208 = arith.constant 256 : i32
        %mul3A_209 = arith.muli %arg0, %mul3A_208 : i32
        %add3A_210 = arith.addi %mul3A_209, %scan3A_207 : i32
        %get3A_211 = arith.index_cast %add3A_210 : i32 to index
        %get3A_212 = memref.load %arg2[%get3A_211] : memref<6144xi32, #tpu.memory_space<smem>>
        %get3A_213 = arith.index_cast %get3A_212 : i32 to index
        %get3A_214 = arith.constant 0 : index
        %get3A_215 = vector.load %arg4[%get3A_213, %get3A_214] : memref<2048x1024xf32, #tpu.memory_space<vmem>>, vector<1x1024xf32>
        %swap3A_216 = arith.index_cast %scan3A_207 : i32 to index
        %swap3A_217 = arith.constant 0 : index
        %swap3A_218 = vector.load %arg11[%swap3A_216, %swap3A_217] : memref<256x1024xf32, #tpu.memory_space<vmem>>, vector<1x1024xf32>
        tpu.vector_store %arg11[%swap3A_216, %swap3A_217], %get3A_215 {strides = array<i32>} : memref<256x1024xf32, #tpu.memory_space<vmem>>, vector<1x1024xf32>,
        %scan3A_219 = arith.constant 12 : i32
        %scan3A_220 = arith.addi %scan3A_64, %scan3A_219 : i32
        %mul3A_221 = arith.constant 256 : i32
        %mul3A_222 = arith.muli %arg0, %mul3A_221 : i32
        %add3A_223 = arith.addi %mul3A_222, %scan3A_220 : i32
        %get3A_224 = arith.index_cast %add3A_223 : i32 to index
        %get3A_225 = memref.load %arg2[%get3A_224] : memref<6144xi32, #tpu.memory_space<smem>>
        %get3A_226 = arith.index_cast %get3A_225 : i32 to index
        %get3A_227 = arith.constant 0 : index
        %get3A_228 = vector.load %arg4[%get3A_226, %get3A_227] : memref<2048x1024xf32, #tpu.memory_space<vmem>>, vector<1x1024xf32>
        %swap3A_229 = arith.index_cast %scan3A_220 : i32 to index
        %swap3A_230 = arith.constant 0 : index
        %swap3A_231 = vector.load %arg11[%swap3A_229, %swap3A_230] : memref<256x1024xf32, #tpu.memory_space<vmem>>, vector<1x1024xf32>
        tpu.vector_store %arg11[%swap3A_229, %swap3A_230], %get3A_228 {strides = array<i32>} : memref<256x1024xf32, #tpu.memory_space<vmem>>, vector<1x1024xf32>,
        %scan3A_232 = arith.constant 13 : i32
        %scan3A_233 = arith.addi %scan3A_64, %scan3A_232 : i32
        %mul3A_234 = arith.constant 256 : i32
        %mul3A_235 = arith.muli %arg0, %mul3A_234 : i32
        %add3A_236 = arith.addi %mul3A_235, %scan3A_233 : i32
        %get3A_237 = arith.index_cast %add3A_236 : i32 to index
        %get3A_238 = memref.load %arg2[%get3A_237] : memref<6144xi32, #tpu.memory_space<smem>>
        %get3A_239 = arith.index_cast %get3A_238 : i32 to index
        %get3A_240 = arith.constant 0 : index
        %get3A_241 = vector.load %arg4[%get3A_239, %get3A_240] : memref<2048x1024xf32, #tpu.memory_space<vmem>>, vector<1x1024xf32>
        %swap3A_242 = arith.index_cast %scan3A_233 : i32 to index
        %swap3A_243 = arith.constant 0 : index
        %swap3A_244 = vector.load %arg11[%swap3A_242, %swap3A_243] : memref<256x1024xf32, #tpu.memory_space<vmem>>, vector<1x1024xf32>
        tpu.vector_store %arg11[%swap3A_242, %swap3A_243], %get3A_241 {strides = array<i32>} : memref<256x1024xf32, #tpu.memory_space<vmem>>, vector<1x1024xf32>,
        %scan3A_245 = arith.constant 14 : i32
        %scan3A_246 = arith.addi %scan3A_64, %scan3A_245 : i32
        %mul3A_247 = arith.constant 256 : i32
        %mul3A_248 = arith.muli %arg0, %mul3A_247 : i32
        %add3A_249 = arith.addi %mul3A_248, %scan3A_246 : i32
        %get3A_250 = arith.index_cast %add3A_249 : i32 to index
        %get3A_251 = memref.load %arg2[%get3A_250] : memref<6144xi32, #tpu.memory_space<smem>>
        %get3A_252 = arith.index_cast %get3A_251 : i32 to index
        %get3A_253 = arith.constant 0 : index
        %get3A_254 = vector.load %arg4[%get3A_252, %get3A_253] : memref<2048x1024xf32, #tpu.memory_space<vmem>>, vector<1x1024xf32>
        %swap3A_255 = arith.index_cast %scan3A_246 : i32 to index
        %swap3A_256 = arith.constant 0 : index
        %swap3A_257 = vector.load %arg11[%swap3A_255, %swap3A_256] : memref<256x1024xf32, #tpu.memory_space<vmem>>, vector<1x1024xf32>
        tpu.vector_store %arg11[%swap3A_255, %swap3A_256], %get3A_254 {strides = array<i32>} : memref<256x1024xf32, #tpu.memory_space<vmem>>, vector<1x1024xf32>,
        %scan3A_258 = arith.constant 15 : i32
        %scan3A_259 = arith.addi %scan3A_64, %scan3A_258 : i32
        %mul3A_260 = arith.constant 256 : i32
        %mul3A_261 = arith.muli %arg0, %mul3A_260 : i32
        %add3A_262 = arith.addi %mul3A_261, %scan3A_259 : i32
        %get3A_263 = arith.index_cast %add3A_262 : i32 to index
        %get3A_264 = memref.load %arg2[%get3A_263] : memref<6144xi32, #tpu.memory_space<smem>>
        %get3A_265 = arith.index_cast %get3A_264 : i32 to index
        %get3A_266 = arith.constant 0 : index
        %get3A_267 = vector.load %arg4[%get3A_265, %get3A_266] : memref<2048x1024xf32, #tpu.memory_space<vmem>>, vector<1x1024xf32>
        %swap3A_268 = arith.index_cast %scan3A_259 : i32 to index
        %swap3A_269 = arith.constant 0 : index
        %swap3A_270 = vector.load %arg11[%swap3A_268, %swap3A_269] : memref<256x1024xf32, #tpu.memory_space<vmem>>, vector<1x1024xf32>
        tpu.vector_store %arg11[%swap3A_268, %swap3A_269], %get3A_267 {strides = array<i32>} : memref<256x1024xf32, #tpu.memory_space<vmem>>, vector<1x1024xf32>,
      }
      %scan3A_9 = arith.constant 256 : i32
      %get3A_10 = arith.constant 0 : index
      %get3A_11 = arith.constant 0 : index
      %get3A_12 = vector.load %arg11[%get3A_10, %get3A_11] : memref<256x1024xf32, #tpu.memory_space<vmem>>, vector<256x1024xf32>
      %convert_element_type3A_13 = arith.truncf %get3A_12 : vector<256x1024xf32> to vector<256x1024xbf16>
      %get3A_14 = arith.constant 0 : index
      %get3A_15 = arith.constant 0 : index
      %get3A_16 = arith.constant 0 : index
      %get3A_17 = vector.load %arg5[%get3A_14, %get3A_15, %get3A_16] : memref<1x4096x1024xbf16, #tpu.memory_space<vmem>>, vector<1x4096x1024xbf16>
      %get3A_18 = vector.shape_cast %get3A_17 : vector<1x4096x1024xbf16> to vector<4096x1024xbf16>
      %dot_general3A = arith.constant dense<0.000000e+00> : vector<256x4096xf32>
      %dot_general3A_19 = tpu.matmul %convert_element_type3A_13, %get3A_18, %dot_general3A {dimension_numbers = #tpu.dot_dimension_numbers<[1], [1], [0], [0], [0, 0, 1, 0], [], []>, transpose_lhs_hint = false} : vector<256x1024xbf16>, vector<4096x1024xbf16>, vector<256x4096xf32> -> vector<256x4096xf32>
      %get3A_20 = arith.constant 0 : index
      %get3A_21 = arith.constant 0 : index
      %get3A_22 = arith.constant 0 : index
      %get3A_23 = vector.load %arg6[%get3A_20, %get3A_21, %get3A_22] : memref<1x1x4096xf32, #tpu.memory_space<vmem>>, vector<1x1x4096xf32>
      %get3A_24 = vector.shape_cast %get3A_23 : vector<1x1x4096xf32> to vector<4096xf32>
      %broadcast_in_dim3A = vector.shape_cast %get3A_24 : vector<4096xf32> to vector<1x4096xf32>
      %add3A = vector.broadcast %broadcast_in_dim3A : vector<1x4096xf32> to vector<256x4096xf32>
      %add3A_25 = arith.addf %dot_general3A_19, %add3A : vector<256x4096xf32>
      %mul3A = arith.constant 5.000000e-01 : f32
      %mul3A_26 = vector.broadcast %mul3A : f32 to vector<256x4096xf32>
      %mul3A_27 = arith.mulf %mul3A_26, %add3A_25 : vector<256x4096xf32>
      %mul3A_28 = arith.constant 0.707106769 : f32
      %mul3A_29 = vector.broadcast %mul3A_28 : f32 to vector<256x4096xf32>
      %mul3A_30 = arith.mulf %add3A_25, %mul3A_29 : vector<256x4096xf32>
      %erf3A = math.erf %mul3A_30 : vector<256x4096xf32>
      %add3A_31 = arith.constant 1.000000e+00 : f32
      %add3A_32 = vector.broadcast %add3A_31 : f32 to vector<256x4096xf32>
      %add3A_33 = arith.addf %add3A_32, %erf3A : vector<256x4096xf32>
      %mul3A_34 = arith.mulf %mul3A_27, %add3A_33 : vector<256x4096xf32>
      %convert_element_type3A_35 = arith.truncf %mul3A_34 : vector<256x4096xf32> to vector<256x4096xbf16>
      %get3A_36 = arith.constant 0 : index
      %get3A_37 = arith.constant 0 : index
      %get3A_38 = arith.constant 0 : index
      %get3A_39 = vector.load %arg7[%get3A_36, %get3A_37, %get3A_38] : memref<1x1024x4096xbf16, #tpu.memory_space<vmem>>, vector<1x1024x4096xbf16>
      %get3A_40 = vector.shape_cast %get3A_39 : vector<1x1024x4096xbf16> to vector<1024x4096xbf16>
      %dot_general3A_41 = arith.constant dense<0.000000e+00> : vector<256x1024xf32>
      %dot_general3A_42 = tpu.matmul %convert_element_type3A_35, %get3A_40, %dot_general3A_41 {dimension_numbers = #tpu.dot_dimension_numbers<[1], [1], [0], [0], [0, 0, 1, 0], [], []>, transpose_lhs_hint = false} : vector<256x4096xbf16>, vector<1024x4096xbf16>, vector<256x1024xf32> -> vector<256x1024xf32>
      %get3A_43 = arith.constant 0 : index
      %get3A_44 = arith.constant 0 : index
      %get3A_45 = arith.constant 0 : index
      %get3A_46 = vector.load %arg8[%get3A_43, %get3A_44, %get3A_45] : memref<1x1x1024xf32, #tpu.memory_space<vmem>>, vector<1x1x1024xf32>
      %get3A_47 = vector.shape_cast %get3A_46 : vector<1x1x1024xf32> to vector<1x1024xf32>
      %add3A_48 = vector.broadcast %get3A_47 : vector<1x1024xf32> to vector<256x1024xf32>
      %add3A_49 = arith.addf %dot_general3A_42, %add3A_48 : vector<256x1024xf32>
      %get3A_50 = arith.constant 0 : index
      %get3A_51 = arith.constant 0 : index
      %get3A_52 = arith.constant 0 : index
      %get3A_53 = vector.load %arg9[%get3A_50, %get3A_51, %get3A_52] : memref<1x256x128xf32, #tpu.memory_space<vmem>>, vector<1x256x128xf32>
      %get3A_54 = vector.shape_cast %get3A_53 : vector<1x256x128xf32> to vector<256x128xf32>
      %slice3A = vector.extract_strided_slice %get3A_54 {offsets = [0, 0], sizes = [256, 1], strides = [1, 1]} : vector<256x128xf32> to vector<256x1xf32>
      %mul3A_55 = vector.broadcast %slice3A : vector<256x1xf32> to vector<256x1024xf32>
      %mul3A_56 = arith.mulf %add3A_49, %mul3A_55 : vector<256x1024xf32>
      %swap3A = arith.constant 0 : index
      %swap3A_57 = arith.constant 0 : index
      %swap3A_58 = vector.load %arg12[%swap3A, %swap3A_57] : memref<256x1024xf32, #tpu.memory_space<vmem>>, vector<256x1024xf32>
      tpu.vector_store %arg12[%swap3A, %swap3A_57], %mul3A_56 {strides = array<i32>} : memref<256x1024xf32, #tpu.memory_space<vmem>>, vector<256x1024xf32>,
      %scan3A_59 = arith.constant 0 : i32
      %scan3A_60 = arith.constant 256 : i32
      %scan3A_61 = arith.addi %scan3A_59, %scan3A_60 : i32
      %scan3A_62 = arith.constant 16 : i32
      scf.for %scan3A_64 = %scan3A_59 to %scan3A_61 step %scan3A_62  : i32 {
        %mul3A_65 = arith.constant 256 : i32
        %mul3A_66 = arith.muli %arg0, %mul3A_65 : i32
        %add3A_67 = arith.addi %mul3A_66, %scan3A_64 : i32
        %get3A_68 = arith.index_cast %add3A_67 : i32 to index
        %get3A_69 = memref.load %arg2[%get3A_68] : memref<6144xi32, #tpu.memory_space<smem>>
        %get3A_70 = arith.index_cast %get3A_69 : i32 to index
        %get3A_71 = arith.constant 0 : index
        %get3A_72 = vector.load %arg10[%get3A_70, %get3A_71] : memref<2048x1024xf32, #tpu.memory_space<vmem>>, vector<1x1024xf32>
        %get3A_73 = arith.index_cast %scan3A_64 : i32 to index
        %get3A_74 = arith.constant 0 : index
        %get3A_75 = vector.load %arg12[%get3A_73, %get3A_74] : memref<256x1024xf32, #tpu.memory_space<vmem>>, vector<1x1024xf32>
        %add3A_76 = arith.addf %get3A_72, %get3A_75 : vector<1x1024xf32>
        %swap3A_77 = arith.index_cast %get3A_69 : i32 to index
        %swap3A_78 = arith.constant 0 : index
        %swap3A_79 = vector.load %arg10[%swap3A_77, %swap3A_78] : memref<2048x1024xf32, #tpu.memory_space<vmem>>, vector<1x1024xf32>
        tpu.vector_store %arg10[%swap3A_77, %swap3A_78], %add3A_76 {strides = array<i32>} : memref<2048x1024xf32, #tpu.memory_space<vmem>>, vector<1x1024xf32>,
        %scan3A_80 = arith.constant 1 : i32
        %scan3A_81 = arith.addi %scan3A_64, %scan3A_80 : i32
        %mul3A_82 = arith.constant 256 : i32
        %mul3A_83 = arith.muli %arg0, %mul3A_82 : i32
        %add3A_84 = arith.addi %mul3A_83, %scan3A_81 : i32
        %get3A_85 = arith.index_cast %add3A_84 : i32 to index
        %get3A_86 = memref.load %arg2[%get3A_85] : memref<6144xi32, #tpu.memory_space<smem>>
        %get3A_87 = arith.index_cast %get3A_86 : i32 to index
        %get3A_88 = arith.constant 0 : index
        %get3A_89 = vector.load %arg10[%get3A_87, %get3A_88] : memref<2048x1024xf32, #tpu.memory_space<vmem>>, vector<1x1024xf32>
        %get3A_90 = arith.index_cast %scan3A_81 : i32 to index
        %get3A_91 = arith.constant 0 : index
        %get3A_92 = vector.load %arg12[%get3A_90, %get3A_91] : memref<256x1024xf32, #tpu.memory_space<vmem>>, vector<1x1024xf32>
        %add3A_93 = arith.addf %get3A_89, %get3A_92 : vector<1x1024xf32>
        %swap3A_94 = arith.index_cast %get3A_86 : i32 to index
        %swap3A_95 = arith.constant 0 : index
        %swap3A_96 = vector.load %arg10[%swap3A_94, %swap3A_95] : memref<2048x1024xf32, #tpu.memory_space<vmem>>, vector<1x1024xf32>
        tpu.vector_store %arg10[%swap3A_94, %swap3A_95], %add3A_93 {strides = array<i32>} : memref<2048x1024xf32, #tpu.memory_space<vmem>>, vector<1x1024xf32>,
        %scan3A_97 = arith.constant 2 : i32
        %scan3A_98 = arith.addi %scan3A_64, %scan3A_97 : i32
        %mul3A_99 = arith.constant 256 : i32
        %mul3A_100 = arith.muli %arg0, %mul3A_99 : i32
        %add3A_101 = arith.addi %mul3A_100, %scan3A_98 : i32
        %get3A_102 = arith.index_cast %add3A_101 : i32 to index
        %get3A_103 = memref.load %arg2[%get3A_102] : memref<6144xi32, #tpu.memory_space<smem>>
        %get3A_104 = arith.index_cast %get3A_103 : i32 to index
        %get3A_105 = arith.constant 0 : index
        %get3A_106 = vector.load %arg10[%get3A_104, %get3A_105] : memref<2048x1024xf32, #tpu.memory_space<vmem>>, vector<1x1024xf32>
        %get3A_107 = arith.index_cast %scan3A_98 : i32 to index
        %get3A_108 = arith.constant 0 : index
        %get3A_109 = vector.load %arg12[%get3A_107, %get3A_108] : memref<256x1024xf32, #tpu.memory_space<vmem>>, vector<1x1024xf32>
        %add3A_110 = arith.addf %get3A_106, %get3A_109 : vector<1x1024xf32>
        %swap3A_111 = arith.index_cast %get3A_103 : i32 to index
        %swap3A_112 = arith.constant 0 : index
        %swap3A_113 = vector.load %arg10[%swap3A_111, %swap3A_112] : memref<2048x1024xf32, #tpu.memory_space<vmem>>, vector<1x1024xf32>
        tpu.vector_store %arg10[%swap3A_111, %swap3A_112], %add3A_110 {strides = array<i32>} : memref<2048x1024xf32, #tpu.memory_space<vmem>>, vector<1x1024xf32>,
        %scan3A_114 = arith.constant 3 : i32
        %scan3A_115 = arith.addi %scan3A_64, %scan3A_114 : i32
        %mul3A_116 = arith.constant 256 : i32
        %mul3A_117 = arith.muli %arg0, %mul3A_116 : i32
        %add3A_118 = arith.addi %mul3A_117, %scan3A_115 : i32
        %get3A_119 = arith.index_cast %add3A_118 : i32 to index
        %get3A_120 = memref.load %arg2[%get3A_119] : memref<6144xi32, #tpu.memory_space<smem>>
        %get3A_121 = arith.index_cast %get3A_120 : i32 to index
        %get3A_122 = arith.constant 0 : index
        %get3A_123 = vector.load %arg10[%get3A_121, %get3A_122] : memref<2048x1024xf32, #tpu.memory_space<vmem>>, vector<1x1024xf32>
        %get3A_124 = arith.index_cast %scan3A_115 : i32 to index
        %get3A_125 = arith.constant 0 : index
        %get3A_126 = vector.load %arg12[%get3A_124, %get3A_125] : memref<256x1024xf32, #tpu.memory_space<vmem>>, vector<1x1024xf32>
        %add3A_127 = arith.addf %get3A_123, %get3A_126 : vector<1x1024xf32>
        %swap3A_128 = arith.index_cast %get3A_120 : i32 to index
        %swap3A_129 = arith.constant 0 : index
        %swap3A_130 = vector.load %arg10[%swap3A_128, %swap3A_129] : memref<2048x1024xf32, #tpu.memory_space<vmem>>, vector<1x1024xf32>
        tpu.vector_store %arg10[%swap3A_128, %swap3A_129], %add3A_127 {strides = array<i32>} : memref<2048x1024xf32, #tpu.memory_space<vmem>>, vector<1x1024xf32>,
        %scan3A_131 = arith.constant 4 : i32
        %scan3A_132 = arith.addi %scan3A_64, %scan3A_131 : i32
        %mul3A_133 = arith.constant 256 : i32
        %mul3A_134 = arith.muli %arg0, %mul3A_133 : i32
        %add3A_135 = arith.addi %mul3A_134, %scan3A_132 : i32
        %get3A_136 = arith.index_cast %add3A_135 : i32 to index
        %get3A_137 = memref.load %arg2[%get3A_136] : memref<6144xi32, #tpu.memory_space<smem>>
        %get3A_138 = arith.index_cast %get3A_137 : i32 to index
        %get3A_139 = arith.constant 0 : index
        %get3A_140 = vector.load %arg10[%get3A_138, %get3A_139] : memref<2048x1024xf32, #tpu.memory_space<vmem>>, vector<1x1024xf32>
        %get3A_141 = arith.index_cast %scan3A_132 : i32 to index
        %get3A_142 = arith.constant 0 : index
        %get3A_143 = vector.load %arg12[%get3A_141, %get3A_142] : memref<256x1024xf32, #tpu.memory_space<vmem>>, vector<1x1024xf32>
        %add3A_144 = arith.addf %get3A_140, %get3A_143 : vector<1x1024xf32>
        %swap3A_145 = arith.index_cast %get3A_137 : i32 to index
        %swap3A_146 = arith.constant 0 : index
        %swap3A_147 = vector.load %arg10[%swap3A_145, %swap3A_146] : memref<2048x1024xf32, #tpu.memory_space<vmem>>, vector<1x1024xf32>
        tpu.vector_store %arg10[%swap3A_145, %swap3A_146], %add3A_144 {strides = array<i32>} : memref<2048x1024xf32, #tpu.memory_space<vmem>>, vector<1x1024xf32>,
        %scan3A_148 = arith.constant 5 : i32
        %scan3A_149 = arith.addi %scan3A_64, %scan3A_148 : i32
        %mul3A_150 = arith.constant 256 : i32
        %mul3A_151 = arith.muli %arg0, %mul3A_150 : i32
        %add3A_152 = arith.addi %mul3A_151, %scan3A_149 : i32
        %get3A_153 = arith.index_cast %add3A_152 : i32 to index
        %get3A_154 = memref.load %arg2[%get3A_153] : memref<6144xi32, #tpu.memory_space<smem>>
        %get3A_155 = arith.index_cast %get3A_154 : i32 to index
        %get3A_156 = arith.constant 0 : index
        %get3A_157 = vector.load %arg10[%get3A_155, %get3A_156] : memref<2048x1024xf32, #tpu.memory_space<vmem>>, vector<1x1024xf32>
        %get3A_158 = arith.index_cast %scan3A_149 : i32 to index
        %get3A_159 = arith.constant 0 : index
        %get3A_160 = vector.load %arg12[%get3A_158, %get3A_159] : memref<256x1024xf32, #tpu.memory_space<vmem>>, vector<1x1024xf32>
        %add3A_161 = arith.addf %get3A_157, %get3A_160 : vector<1x1024xf32>
        %swap3A_162 = arith.index_cast %get3A_154 : i32 to index
        %swap3A_163 = arith.constant 0 : index
        %swap3A_164 = vector.load %arg10[%swap3A_162, %swap3A_163] : memref<2048x1024xf32, #tpu.memory_space<vmem>>, vector<1x1024xf32>
        tpu.vector_store %arg10[%swap3A_162, %swap3A_163], %add3A_161 {strides = array<i32>} : memref<2048x1024xf32, #tpu.memory_space<vmem>>, vector<1x1024xf32>,
        %scan3A_165 = arith.constant 6 : i32
        %scan3A_166 = arith.addi %scan3A_64, %scan3A_165 : i32
        %mul3A_167 = arith.constant 256 : i32
        %mul3A_168 = arith.muli %arg0, %mul3A_167 : i32
        %add3A_169 = arith.addi %mul3A_168, %scan3A_166 : i32
        %get3A_170 = arith.index_cast %add3A_169 : i32 to index
        %get3A_171 = memref.load %arg2[%get3A_170] : memref<6144xi32, #tpu.memory_space<smem>>
        %get3A_172 = arith.index_cast %get3A_171 : i32 to index
        %get3A_173 = arith.constant 0 : index
        %get3A_174 = vector.load %arg10[%get3A_172, %get3A_173] : memref<2048x1024xf32, #tpu.memory_space<vmem>>, vector<1x1024xf32>
        %get3A_175 = arith.index_cast %scan3A_166 : i32 to index
        %get3A_176 = arith.constant 0 : index
        %get3A_177 = vector.load %arg12[%get3A_175, %get3A_176] : memref<256x1024xf32, #tpu.memory_space<vmem>>, vector<1x1024xf32>
        %add3A_178 = arith.addf %get3A_174, %get3A_177 : vector<1x1024xf32>
        %swap3A_179 = arith.index_cast %get3A_171 : i32 to index
        %swap3A_180 = arith.constant 0 : index
        %swap3A_181 = vector.load %arg10[%swap3A_179, %swap3A_180] : memref<2048x1024xf32, #tpu.memory_space<vmem>>, vector<1x1024xf32>
        tpu.vector_store %arg10[%swap3A_179, %swap3A_180], %add3A_178 {strides = array<i32>} : memref<2048x1024xf32, #tpu.memory_space<vmem>>, vector<1x1024xf32>,
        %scan3A_182 = arith.constant 7 : i32
        %scan3A_183 = arith.addi %scan3A_64, %scan3A_182 : i32
        %mul3A_184 = arith.constant 256 : i32
        %mul3A_185 = arith.muli %arg0, %mul3A_184 : i32
        %add3A_186 = arith.addi %mul3A_185, %scan3A_183 : i32
        %get3A_187 = arith.index_cast %add3A_186 : i32 to index
        %get3A_188 = memref.load %arg2[%get3A_187] : memref<6144xi32, #tpu.memory_space<smem>>
        %get3A_189 = arith.index_cast %get3A_188 : i32 to index
        %get3A_190 = arith.constant 0 : index
        %get3A_191 = vector.load %arg10[%get3A_189, %get3A_190] : memref<2048x1024xf32, #tpu.memory_space<vmem>>, vector<1x1024xf32>
        %get3A_192 = arith.index_cast %scan3A_183 : i32 to index
        %get3A_193 = arith.constant 0 : index
        %get3A_194 = vector.load %arg12[%get3A_192, %get3A_193] : memref<256x1024xf32, #tpu.memory_space<vmem>>, vector<1x1024xf32>
        %add3A_195 = arith.addf %get3A_191, %get3A_194 : vector<1x1024xf32>
        %swap3A_196 = arith.index_cast %get3A_188 : i32 to index
        %swap3A_197 = arith.constant 0 : index
        %swap3A_198 = vector.load %arg10[%swap3A_196, %swap3A_197] : memref<2048x1024xf32, #tpu.memory_space<vmem>>, vector<1x1024xf32>
        tpu.vector_store %arg10[%swap3A_196, %swap3A_197], %add3A_195 {strides = array<i32>} : memref<2048x1024xf32, #tpu.memory_space<vmem>>, vector<1x1024xf32>,
        %scan3A_199 = arith.constant 8 : i32
        %scan3A_200 = arith.addi %scan3A_64, %scan3A_199 : i32
        %mul3A_201 = arith.constant 256 : i32
        %mul3A_202 = arith.muli %arg0, %mul3A_201 : i32
        %add3A_203 = arith.addi %mul3A_202, %scan3A_200 : i32
        %get3A_204 = arith.index_cast %add3A_203 : i32 to index
        %get3A_205 = memref.load %arg2[%get3A_204] : memref<6144xi32, #tpu.memory_space<smem>>
        %get3A_206 = arith.index_cast %get3A_205 : i32 to index
        %get3A_207 = arith.constant 0 : index
        %get3A_208 = vector.load %arg10[%get3A_206, %get3A_207] : memref<2048x1024xf32, #tpu.memory_space<vmem>>, vector<1x1024xf32>
        %get3A_209 = arith.index_cast %scan3A_200 : i32 to index
        %get3A_210 = arith.constant 0 : index
        %get3A_211 = vector.load %arg12[%get3A_209, %get3A_210] : memref<256x1024xf32, #tpu.memory_space<vmem>>, vector<1x1024xf32>
        %add3A_212 = arith.addf %get3A_208, %get3A_211 : vector<1x1024xf32>
        %swap3A_213 = arith.index_cast %get3A_205 : i32 to index
        %swap3A_214 = arith.constant 0 : index
        %swap3A_215 = vector.load %arg10[%swap3A_213, %swap3A_214] : memref<2048x1024xf32, #tpu.memory_space<vmem>>, vector<1x1024xf32>
        tpu.vector_store %arg10[%swap3A_213, %swap3A_214], %add3A_212 {strides = array<i32>} : memref<2048x1024xf32, #tpu.memory_space<vmem>>, vector<1x1024xf32>,
        %scan3A_216 = arith.constant 9 : i32
        %scan3A_217 = arith.addi %scan3A_64, %scan3A_216 : i32
        %mul3A_218 = arith.constant 256 : i32
        %mul3A_219 = arith.muli %arg0, %mul3A_218 : i32
        %add3A_220 = arith.addi %mul3A_219, %scan3A_217 : i32
        %get3A_221 = arith.index_cast %add3A_220 : i32 to index
        %get3A_222 = memref.load %arg2[%get3A_221] : memref<6144xi32, #tpu.memory_space<smem>>
        %get3A_223 = arith.index_cast %get3A_222 : i32 to index
        %get3A_224 = arith.constant 0 : index
        %get3A_225 = vector.load %arg10[%get3A_223, %get3A_224] : memref<2048x1024xf32, #tpu.memory_space<vmem>>, vector<1x1024xf32>
        %get3A_226 = arith.index_cast %scan3A_217 : i32 to index
        %get3A_227 = arith.constant 0 : index
        %get3A_228 = vector.load %arg12[%get3A_226, %get3A_227] : memref<256x1024xf32, #tpu.memory_space<vmem>>, vector<1x1024xf32>
        %add3A_229 = arith.addf %get3A_225, %get3A_228 : vector<1x1024xf32>
        %swap3A_230 = arith.index_cast %get3A_222 : i32 to index
        %swap3A_231 = arith.constant 0 : index
        %swap3A_232 = vector.load %arg10[%swap3A_230, %swap3A_231] : memref<2048x1024xf32, #tpu.memory_space<vmem>>, vector<1x1024xf32>
        tpu.vector_store %arg10[%swap3A_230, %swap3A_231], %add3A_229 {strides = array<i32>} : memref<2048x1024xf32, #tpu.memory_space<vmem>>, vector<1x1024xf32>,
        %scan3A_233 = arith.constant 10 : i32
        %scan3A_234 = arith.addi %scan3A_64, %scan3A_233 : i32
        %mul3A_235 = arith.constant 256 : i32
        %mul3A_236 = arith.muli %arg0, %mul3A_235 : i32
        %add3A_237 = arith.addi %mul3A_236, %scan3A_234 : i32
        %get3A_238 = arith.index_cast %add3A_237 : i32 to index
        %get3A_239 = memref.load %arg2[%get3A_238] : memref<6144xi32, #tpu.memory_space<smem>>
        %get3A_240 = arith.index_cast %get3A_239 : i32 to index
        %get3A_241 = arith.constant 0 : index
        %get3A_242 = vector.load %arg10[%get3A_240, %get3A_241] : memref<2048x1024xf32, #tpu.memory_space<vmem>>, vector<1x1024xf32>
        %get3A_243 = arith.index_cast %scan3A_234 : i32 to index
        %get3A_244 = arith.constant 0 : index
        %get3A_245 = vector.load %arg12[%get3A_243, %get3A_244] : memref<256x1024xf32, #tpu.memory_space<vmem>>, vector<1x1024xf32>
        %add3A_246 = arith.addf %get3A_242, %get3A_245 : vector<1x1024xf32>
        %swap3A_247 = arith.index_cast %get3A_239 : i32 to index
        %swap3A_248 = arith.constant 0 : index
        %swap3A_249 = vector.load %arg10[%swap3A_247, %swap3A_248] : memref<2048x1024xf32, #tpu.memory_space<vmem>>, vector<1x1024xf32>
        tpu.vector_store %arg10[%swap3A_247, %swap3A_248], %add3A_246 {strides = array<i32>} : memref<2048x1024xf32, #tpu.memory_space<vmem>>, vector<1x1024xf32>,
        %scan3A_250 = arith.constant 11 : i32
        %scan3A_251 = arith.addi %scan3A_64, %scan3A_250 : i32
        %mul3A_252 = arith.constant 256 : i32
        %mul3A_253 = arith.muli %arg0, %mul3A_252 : i32
        %add3A_254 = arith.addi %mul3A_253, %scan3A_251 : i32
        %get3A_255 = arith.index_cast %add3A_254 : i32 to index
        %get3A_256 = memref.load %arg2[%get3A_255] : memref<6144xi32, #tpu.memory_space<smem>>
        %get3A_257 = arith.index_cast %get3A_256 : i32 to index
        %get3A_258 = arith.constant 0 : index
        %get3A_259 = vector.load %arg10[%get3A_257, %get3A_258] : memref<2048x1024xf32, #tpu.memory_space<vmem>>, vector<1x1024xf32>
        %get3A_260 = arith.index_cast %scan3A_251 : i32 to index
        %get3A_261 = arith.constant 0 : index
        %get3A_262 = vector.load %arg12[%get3A_260, %get3A_261] : memref<256x1024xf32, #tpu.memory_space<vmem>>, vector<1x1024xf32>
        %add3A_263 = arith.addf %get3A_259, %get3A_262 : vector<1x1024xf32>
        %swap3A_264 = arith.index_cast %get3A_256 : i32 to index
        %swap3A_265 = arith.constant 0 : index
        %swap3A_266 = vector.load %arg10[%swap3A_264, %swap3A_265] : memref<2048x1024xf32, #tpu.memory_space<vmem>>, vector<1x1024xf32>
        tpu.vector_store %arg10[%swap3A_264, %swap3A_265], %add3A_263 {strides = array<i32>} : memref<2048x1024xf32, #tpu.memory_space<vmem>>, vector<1x1024xf32>,
        %scan3A_267 = arith.constant 12 : i32
        %scan3A_268 = arith.addi %scan3A_64, %scan3A_267 : i32
        %mul3A_269 = arith.constant 256 : i32
        %mul3A_270 = arith.muli %arg0, %mul3A_269 : i32
        %add3A_271 = arith.addi %mul3A_270, %scan3A_268 : i32
        %get3A_272 = arith.index_cast %add3A_271 : i32 to index
        %get3A_273 = memref.load %arg2[%get3A_272] : memref<6144xi32, #tpu.memory_space<smem>>
        %get3A_274 = arith.index_cast %get3A_273 : i32 to index
        %get3A_275 = arith.constant 0 : index
        %get3A_276 = vector.load %arg10[%get3A_274, %get3A_275] : memref<2048x1024xf32, #tpu.memory_space<vmem>>, vector<1x1024xf32>
        %get3A_277 = arith.index_cast %scan3A_268 : i32 to index
        %get3A_278 = arith.constant 0 : index
        %get3A_279 = vector.load %arg12[%get3A_277, %get3A_278] : memref<256x1024xf32, #tpu.memory_space<vmem>>, vector<1x1024xf32>
        %add3A_280 = arith.addf %get3A_276, %get3A_279 : vector<1x1024xf32>
        %swap3A_281 = arith.index_cast %get3A_273 : i32 to index
        %swap3A_282 = arith.constant 0 : index
        %swap3A_283 = vector.load %arg10[%swap3A_281, %swap3A_282] : memref<2048x1024xf32, #tpu.memory_space<vmem>>, vector<1x1024xf32>
        tpu.vector_store %arg10[%swap3A_281, %swap3A_282], %add3A_280 {strides = array<i32>} : memref<2048x1024xf32, #tpu.memory_space<vmem>>, vector<1x1024xf32>,
        %scan3A_284 = arith.constant 13 : i32
        %scan3A_285 = arith.addi %scan3A_64, %scan3A_284 : i32
        %mul3A_286 = arith.constant 256 : i32
        %mul3A_287 = arith.muli %arg0, %mul3A_286 : i32
        %add3A_288 = arith.addi %mul3A_287, %scan3A_285 : i32
        %get3A_289 = arith.index_cast %add3A_288 : i32 to index
        %get3A_290 = memref.load %arg2[%get3A_289] : memref<6144xi32, #tpu.memory_space<smem>>
        %get3A_291 = arith.index_cast %get3A_290 : i32 to index
        %get3A_292 = arith.constant 0 : index
        %get3A_293 = vector.load %arg10[%get3A_291, %get3A_292] : memref<2048x1024xf32, #tpu.memory_space<vmem>>, vector<1x1024xf32>
        %get3A_294 = arith.index_cast %scan3A_285 : i32 to index
        %get3A_295 = arith.constant 0 : index
        %get3A_296 = vector.load %arg12[%get3A_294, %get3A_295] : memref<256x1024xf32, #tpu.memory_space<vmem>>, vector<1x1024xf32>
        %add3A_297 = arith.addf %get3A_293, %get3A_296 : vector<1x1024xf32>
        %swap3A_298 = arith.index_cast %get3A_290 : i32 to index
        %swap3A_299 = arith.constant 0 : index
        %swap3A_300 = vector.load %arg10[%swap3A_298, %swap3A_299] : memref<2048x1024xf32, #tpu.memory_space<vmem>>, vector<1x1024xf32>
        tpu.vector_store %arg10[%swap3A_298, %swap3A_299], %add3A_297 {strides = array<i32>} : memref<2048x1024xf32, #tpu.memory_space<vmem>>, vector<1x1024xf32>,
        %scan3A_301 = arith.constant 14 : i32
        %scan3A_302 = arith.addi %scan3A_64, %scan3A_301 : i32
        %mul3A_303 = arith.constant 256 : i32
        %mul3A_304 = arith.muli %arg0, %mul3A_303 : i32
        %add3A_305 = arith.addi %mul3A_304, %scan3A_302 : i32
        %get3A_306 = arith.index_cast %add3A_305 : i32 to index
        %get3A_307 = memref.load %arg2[%get3A_306] : memref<6144xi32, #tpu.memory_space<smem>>
        %get3A_308 = arith.index_cast %get3A_307 : i32 to index
        %get3A_309 = arith.constant 0 : index
        %get3A_310 = vector.load %arg10[%get3A_308, %get3A_309] : memref<2048x1024xf32, #tpu.memory_space<vmem>>, vector<1x1024xf32>
        %get3A_311 = arith.index_cast %scan3A_302 : i32 to index
        %get3A_312 = arith.constant 0 : index
        %get3A_313 = vector.load %arg12[%get3A_311, %get3A_312] : memref<256x1024xf32, #tpu.memory_space<vmem>>, vector<1x1024xf32>
        %add3A_314 = arith.addf %get3A_310, %get3A_313 : vector<1x1024xf32>
        %swap3A_315 = arith.index_cast %get3A_307 : i32 to index
        %swap3A_316 = arith.constant 0 : index
        %swap3A_317 = vector.load %arg10[%swap3A_315, %swap3A_316] : memref<2048x1024xf32, #tpu.memory_space<vmem>>, vector<1x1024xf32>
        tpu.vector_store %arg10[%swap3A_315, %swap3A_316], %add3A_314 {strides = array<i32>} : memref<2048x1024xf32, #tpu.memory_space<vmem>>, vector<1x1024xf32>,
        %scan3A_318 = arith.constant 15 : i32
        %scan3A_319 = arith.addi %scan3A_64, %scan3A_318 : i32
        %mul3A_320 = arith.constant 256 : i32
        %mul3A_321 = arith.muli %arg0, %mul3A_320 : i32
        %add3A_322 = arith.addi %mul3A_321, %scan3A_319 : i32
        %get3A_323 = arith.index_cast %add3A_322 : i32 to index
        %get3A_324 = memref.load %arg2[%get3A_323] : memref<6144xi32, #tpu.memory_space<smem>>
        %get3A_325 = arith.index_cast %get3A_324 : i32 to index
        %get3A_326 = arith.constant 0 : index
        %get3A_327 = vector.load %arg10[%get3A_325, %get3A_326] : memref<2048x1024xf32, #tpu.memory_space<vmem>>, vector<1x1024xf32>
        %get3A_328 = arith.index_cast %scan3A_319 : i32 to index
        %get3A_329 = arith.constant 0 : index
        %get3A_330 = vector.load %arg12[%get3A_328, %get3A_329] : memref<256x1024xf32, #tpu.memory_space<vmem>>, vector<1x1024xf32>
        %add3A_331 = arith.addf %get3A_327, %get3A_330 : vector<1x1024xf32>
        %swap3A_332 = arith.index_cast %get3A_324 : i32 to index
        %swap3A_333 = arith.constant 0 : index
        %swap3A_334 = vector.load %arg10[%swap3A_332, %swap3A_333] : memref<2048x1024xf32, #tpu.memory_space<vmem>>, vector<1x1024xf32>
        tpu.vector_store %arg10[%swap3A_332, %swap3A_333], %add3A_331 {strides = array<i32>} : memref<2048x1024xf32, #tpu.memory_space<vmem>>, vector<1x1024xf32>,
      }
      %scan3A_63 = arith.constant 256 : i32
    } else {
    }
    return
  }
  func.func @transform_0(%arg0: i32, %arg1: memref<24xi32, #tpu.memory_space<smem>>, %arg2: memref<6144xi32, #tpu.memory_space<smem>>, %arg3: memref<1xi32, #tpu.memory_space<smem>>) -> (i32, i32) {
    %c0_i32 = arith.constant 0 : i32
    %c0_i32_0 = arith.constant 0 : i32
    %c0_i32_1 = arith.constant 0 : i32
    return %c0_i32, %c0_i32_0 : i32, i32
  }
  func.func @transform_1(%arg0: i32, %arg1: memref<24xi32, #tpu.memory_space<smem>>, %arg2: memref<6144xi32, #tpu.memory_space<smem>>, %arg3: memref<1xi32, #tpu.memory_space<smem>>) -> (i32, i32, i32) {
    %get3A = arith.index_cast %arg0 : i32 to index
    %get3A_0 = memref.load %arg1[%get3A] : memref<24xi32, #tpu.memory_space<smem>>
    %c0_i32 = arith.constant 0 : i32
    %c0_i32_1 = arith.constant 0 : i32
    %c0_i32_2 = arith.constant 0 : i32
    return %get3A_0, %c0_i32, %c0_i32_1 : i32, i32, i32
  }
  func.func @transform_2(%arg0: i32, %arg1: memref<24xi32, #tpu.memory_space<smem>>, %arg2: memref<6144xi32, #tpu.memory_space<smem>>, %arg3: memref<1xi32, #tpu.memory_space<smem>>) -> (i32, i32, i32) {
    %get3A = arith.index_cast %arg0 : i32 to index
    %get3A_0 = memref.load %arg1[%get3A] : memref<24xi32, #tpu.memory_space<smem>>
    %c0_i32 = arith.constant 0 : i32
    %c0_i32_1 = arith.constant 0 : i32
    %c0_i32_2 = arith.constant 0 : i32
    return %get3A_0, %c0_i32, %c0_i32_1 : i32, i32, i32
  }
  func.func @transform_3(%arg0: i32, %arg1: memref<24xi32, #tpu.memory_space<smem>>, %arg2: memref<6144xi32, #tpu.memory_space<smem>>, %arg3: memref<1xi32, #tpu.memory_space<smem>>) -> (i32, i32, i32) {
    %get3A = arith.index_cast %arg0 : i32 to index
    %get3A_0 = memref.load %arg1[%get3A] : memref<24xi32, #tpu.memory_space<smem>>
    %c0_i32 = arith.constant 0 : i32
    %c0_i32_1 = arith.constant 0 : i32
    %c0_i32_2 = arith.constant 0 : i32
    return %get3A_0, %c0_i32, %c0_i32_1 : i32, i32, i32
  }
  func.func @transform_4(%arg0: i32, %arg1: memref<24xi32, #tpu.memory_space<smem>>, %arg2: memref<6144xi32, #tpu.memory_space<smem>>, %arg3: memref<1xi32, #tpu.memory_space<smem>>) -> (i32, i32, i32) {
    %get3A = arith.index_cast %arg0 : i32 to index
    %get3A_0 = memref.load %arg1[%get3A] : memref<24xi32, #tpu.memory_space<smem>>
    %c0_i32 = arith.constant 0 : i32
    %c0_i32_1 = arith.constant 0 : i32
    %c0_i32_2 = arith.constant 0 : i32
    return %get3A_0, %c0_i32, %c0_i32_1 : i32, i32, i32
  }
  func.func @transform_5(%arg0: i32, %arg1: memref<24xi32, #tpu.memory_space<smem>>, %arg2: memref<6144xi32, #tpu.memory_space<smem>>, %arg3: memref<1xi32, #tpu.memory_space<smem>>) -> (i32, i32, i32) {
    %c0_i32 = arith.constant 0 : i32
    %c0_i32_0 = arith.constant 0 : i32
    %c0_i32_1 = arith.constant 0 : i32
    return %arg0, %c0_i32, %c0_i32_0 : i32, i32, i32
  }
  func.func @transform_6(%arg0: i32, %arg1: memref<24xi32, #tpu.memory_space<smem>>, %arg2: memref<6144xi32, #tpu.memory_space<smem>>, %arg3: memref<1xi32, #tpu.memory_space<smem>>) -> (i32, i32) {
    %c0_i32 = arith.constant 0 : i32
    %c0_i32_0 = arith.constant 0 : i32
    %c0_i32_1 = arith.constant 0 : i32
    return %c0_i32, %c0_i32_0 : i32, i32
  }
}

</mosaic_0001>

<sc_bundles>
// kernel: kernel.4.cloned.1.call-start
scs
__scs_entry_jumppad:
0x0: {  	(pc) =	sbr.rel $0x88, $3  }
0x1: {  	(tag) =	ssettag $0x0;
	lr =	simm.s32 $0x1  }
0x2: {  	[smem:$0x3F9B] =	sst lr;
	_ =	strace $0xD0000000  }
0x3: {  	_ = 	snop  }
0x4: {  	_ = 	snop  }
0x5: {  	_ = 	snop  }
0x6: {  	_ = 	snop  }
0x7: {  	_ = 	snop  }
__scs_overlays_trampoline_lowered:
0x8: {  	[smem:$0x3FAA] =	sst s0  }
0x9: {  	[smem:$0x3FAB] =	sst s1  }
0xa: {  	[smem:$0x3FAC] =	sst s2  }
0xb: {  	[smem:$0x3FAD] =	sst s3  }
0xc: {  	[smem:$0x3FAE] =	sst s4  }
0xd: {  	[smem:$0x3FAF] =	sst s5  }
0xe: {  	[smem:$0x3FB0] =	sst s6  }
0xf: {  	[smem:$0x3FB1] =	sst s7  }
0x10: {  	[smem:$0x3FB2] =	sst s8  }
0x11: {  	[smem:$0x3FB3] =	sst s9;
	s0 =	simm.s32 @!p0 $0x0  }
0x12: {  	s1 =	sld [smem:$0x3F99];
	s0 =	simm.s32 @p0 $0x1  }
0x13: {  	[smem:$0x3FB4] =	sst s0;
	s0 =	simm.s32 @!p1 $0x0  }
0x14: {  	s2 =	sld [smem:$0x3F98];
	s0 =	simm.s32 @p1 $0x1  }
0x15: {  	[smem:$0x3FB5] =	sst s0;
	s0 =	simm.s32 @!p2 $0x0  }
0x16: {  	s3 =	sld [smem:$0x3FDB];
	s0 =	simm.s32 @p2 $0x1  }
0x17: {  	s4 =	simm.s32 $0x1BF5;
	[smem:$0x3FB7] =	sst s0  }
0x18: {  	s0 =	sld [smem:$0x3F9A];
	_ =	swait.ge [sflag:s4], $0x0  }
0x19: {  	s7 =	sld [smem:$0x3F9B]  }
0x1a: {  	s8 =	sadd.s32 $0xFFFFE003, lr  }
0x1b: {  	s9 =	sadd.s32 $0xFFFFFEF7, lr;
	s5 =	simm.s32 $0xFFFFFFFF;
	p2 =	slt.u32 s8, $0xFFFFF086  }
0x1c: {  	p1 =	slt.u32 s9, $0xF7A;
	s5 =	simm.s32 @!p2 $0x0  }
0x1d: {  	s5 =	simm.s32 @p1 $0x1;
	p0 =	seq.s32 s7, s2  }
0x1e: {  	s7 =	smul.u32 @!p0 $0xF7A, s2;
	p2 =	seq.s32 @!p0 s5, $0x0  }
0x1f: {  	s9 =	smul.u32 $0xF7A, s1;
	s8 =	simm.s32 @!p0 $0x1BF5;
	p2 =	por !p2, p0  }
0x20: {  	[sflag:s8] =	ssyncset.s32 @!p0 $0xFFFFF086;
	s6 =	sadd.s32 @!p0 s3, s7;
	s7 =	simm.s32 @!p0 $0x108  }
0x21: {  	s3 =	sadd.s32 s3, s9;
	s6 =	sadd.s32 @!p0 $0x88, s6;
	s7 =	simm.s32 @p2 $0x1082  }
0x22: {  	[simem:s7], [sflag:s8] =	dma.local @!p0 [hbm:s6], $0xF7A  }
0x23: {  	s9 =	sor.u32 $0xD0000000, s2;
	s6 =	simm.s32 $0x108;
	_ =	swait.ge @!p0 [sflag:s8], $0x0  }
0x24: {  	s3 =	sadd.s32 $0x88, s3;
	s6 =	simm.s32 @!p1 $0x1082;
	[sflag:s4] =	ssyncset.s32 $0xFFFFF086  }
0x25: {  	[simem:s6], [sflag:s4] =	dma.local [hbm:s3], $0xF7A  }
0x26: {  	[smem:$0x3F9B] =	sst s1;
	(tag) =	ssettag s2;
	_ =	strace s9  }
0x27: {  	s1 =	sld [smem:$0x3FAB]  }
0x28: {  	s2 =	sld [smem:$0x3FAC]  }
0x29: {  	s4 =	sld [smem:$0x3FAE]  }
0x2a: {  	p0 =	seq.s32 s5, $0x0;
	s5 =	sld [smem:$0x3FAF]  }
0x2b: {  	s6 =	sld [smem:$0x3FB0]  }
0x2c: {  	s7 =	sld [smem:$0x3FB1]  }
0x2d: {  	s3 =	simm.s32 $0x108;
	s8 =	sld [smem:$0x3FB2]  }
0x2e: {  	s3 =	simm.s32 @!p0 $0x1082;
	s9 =	sld [smem:$0x3FB3]  }
0x2f: {  	lr =	sadd.s32 s0, s3;
	s0 =	sld [smem:$0x3FAA]  }
0x30: {  	s3 =	sld [smem:$0x3FAD]  }
0x31: {  	[smem:$0x3FB6] =	sst s10  }
0x32: {  	s10 =	sld [smem:$0x3FB4];
	_ =	sdelay $0x3  }
0x33: {  	p0 =	seq.s32 s10, $0x1;
	s10 =	sld [smem:$0x3FB6];
	_ =	sdelay $0x3  }
0x34: {  	[smem:$0x3FB6] =	sst s10  }
0x35: {  	s10 =	sld [smem:$0x3FB5];
	_ =	sdelay $0x3  }
0x36: {  	p1 =	seq.s32 s10, $0x1;
	s10 =	sld [smem:$0x3FB6];
	_ =	sdelay $0x3  }
0x37: {  	[smem:$0x3FB6] =	sst s10  }
0x38: {  	s10 =	sld [smem:$0x3FB7]  }
0x39: {  	_ = 	snop;
	(pc) =	sbr.ind lr, $3  }
0x3a: {  	_ = 	snop  }
0x3b: {  	_ = 	snop  }
0x3c: {  	p2 =	seq.s32 s10, $0x1;
	s10 =	sld [smem:$0x3FB6]  }
0x3d: {  	_ =	shalt  }
0x3e: {  	_ =	shalt  }
0x3f: {  	_ =	shalt  }
0x40: {  	_ =	shalt  }
0x41: {  	_ =	shalt  }
0x42: {  	_ =	shalt  }
0x43: {  	_ =	shalt  }
0x44: {  	_ =	shalt  }
0x45: {  	_ =	shalt  }
0x46: {  	_ =	shalt  }
0x47: {  	_ =	shalt  }
0x48: {  	_ =	shalt  }
0x49: {  	_ =	shalt  }
0x4a: {  	_ =	shalt  }
0x4b: {  	_ =	shalt  }
0x4c: {  	_ =	shalt  }
0x4d: {  	_ =	shalt  }
0x4e: {  	_ =	shalt  }
0x4f: {  	_ =	shalt  }
0x50: {  	_ =	shalt  }
0x51: {  	_ =	shalt  }
0x52: {  	_ =	shalt  }
0x53: {  	_ =	shalt  }
0x54: {  	_ =	shalt  }
0x55: {  	_ =	shalt  }
0x56: {  	_ =	shalt  }
0x57: {  	_ =	shalt  }
0x58: {  	_ =	shalt  }
0x59: {  	_ =	shalt  }
0x5a: {  	_ =	shalt  }
0x5b: {  	_ =	shalt  }
0x5c: {  	_ =	shalt  }
0x5d: {  	_ =	shalt  }
0x5e: {  	_ =	shalt  }
0x5f: {  	_ =	shalt  }
0x60: {  	_ =	shalt  }
0x61: {  	_ =	shalt  }
0x62: {  	_ =	shalt  }
0x63: {  	_ =	shalt  }
0x64: {  	_ =	shalt  }
0x65: {  	_ =	shalt  }
0x66: {  	_ =	shalt  }
0x67: {  	_ =	shalt  }
0x68: {  	_ =	shalt  }
0x69: {  	_ =	shalt  }
0x6a: {  	_ =	shalt  }
0x6b: {  	_ =	shalt  }
0x6c: {  	_ =	shalt  }
0x6d: {  	_ =	shalt  }
0x6e: {  	_ =	shalt  }
0x6f: {  	_ =	shalt  }
0x70: {  	_ =	shalt  }
0x71: {  	_ =	shalt  }
0x72: {  	_ =	shalt  }
0x73: {  	_ =	shalt  }
0x74: {  	_ =	shalt  }
0x75: {  	_ =	shalt  }
0x76: {  	_ =	shalt  }
0x77: {  	_ =	shalt  }
0x78: {  	_ =	shalt  }
0x79: {  	_ =	shalt  }
0x7a: {  	_ =	shalt  }
0x7b: {  	_ =	shalt  }
0x7c: {  	_ =	shalt  }
0x7d: {  	_ =	shalt  }
0x7e: {  	_ =	shalt  }
0x7f: {  	_ =	shalt  }
0x80: {  	_ =	shalt  }
0x81: {  	_ =	shalt  }
0x82: {  	_ =	shalt  }
0x83: {  	_ =	shalt  }
0x84: {  	_ =	shalt  }
0x85: {  	_ =	shalt  }
0x86: {  	_ =	shalt  }
0x87: {  	_ =	shalt  }
.Lfunc_end0:
.L_simem_size_0:
called_computation_lowered:
.L_overlay_start_0:
0x88: {  	s0 =	sld [smem:$0x3FD9]  }
0x89: {  	s1 =	sld [smem:$0x3FFE];
	_ =	sdelay $0x3  }
0x8a: {  	s0 =	sadd.s32 s1, s0  }
0x8b: {  	[smem:$0x3FC2] =	sst s0  }
0x8c: {  	_ = 	snop  }
0x8d: {  	s0 =	sld [smem:$0x3FD0];
	(tm) =	ssettm $0x1  }
0x8e: {  	s16 =	sld [smem:$0x3FFB];
	_ =	sdelay $0x3  }
0x8f: {  	_ =	strace s16  }
0x90: {  	s1 =	sld [smem:$0x3FFC];
	_ =	sdelay $0x3  }
0x91: {  	_ =	strace s1  }
0x92: {  	s1 =	sld [smem:$0x3FFD];
	_ =	sdelay $0x3  }
0x93: {  	_ =	strace s1  }
0x94: {  	_ =	strace $0x8FFFFFFF  }
0x95: {  	s17 =	sld [smem:$0x3FDB];
	_ =	sdelay $0x1  }
0x96: {  	s2 =	simm.s32 $_scs_section_size  }
0x97: {  	s3 =	simm.s32 $_size__tile_overlayer_lowered;
	s4 =	simm.s32 $_tile_overlayer_lowered  }
0x98: {  	s20 =	simm.s32 $0x1BFF;
	s19 =	sshll.u32 s4, $0x1;
	s1 =	sadd.s32 s2, s17  }
0x99: {  	s5 =	simm.s32 $0x0;
	s18 =	sshll.u32 s3, $0x1;
	s3 =	sadd.s32 s19, s1  }
0x9a: {  	[timem:s5], [sflag:s20] =	dma.local [hbm:s3], s18  }
0x9b: {  	_ =	swait.ge [sflag:s20], s18  }
0x9c: {  	s2 =	ssub.s32 $0x0, s18;
	[sflag:s20] =	ssyncset.done $0x0  }
0x9d: {  	[sflag:s20] =	ssyncadd.s32 s2;
	_ =	sdelay $0x1  }
0x9e: {  	s21 =	simm.s32 $0x1B8B  }
0x9f: {  	_ =	swait.ge [sflag:s21], $0x1  }
0xa0: {  	[sflag:s21] =	ssyncset.done $0x0  }
0xa1: {  	s23 =	simm.s32 $0x1B8E;
	s22 =	sld [smem:$0x3FFE];
	[sflag:s21] =	ssyncadd.s32 $0xFFFFFFFF  }
0xa2: {  	s24 =	simm.s32 $execute0_lowered;
	[smem:$0x3FD2] =	sst s23  }
0xa3: {  	s3 =	sshll.u32 s24, $0x1;
	_ =	strace $0x80000046;
	[dreg:$0x1] =	wrdreg $0xFFFFFFFF  }
0xa4: {  	s25 =	simm.s32 $_size_execute0_lowered;
	s1 =	sadd.s32 s1, s3;
	[dreg:$0x0] =	wrdreg $0x0  }
0xa5: {  	s3 =	sshll.u32 s25, $0x1;
	[dreg:$0x2] =	wrdreg s1  }
0xa6: {  	[dreg:$0x3] =	wrdreg s3  }
0xa7: {  	[dreg:$0x4] =	wrdreg $0xC0  }
0xa8: {  	_ =	task [dreg:s5], $0x5FFFF  }
0xa9: {  	[dreg:$0x1] =	wrdreg $0xFFFFFFFF  }
0xaa: {  	[dreg:$0x0] =	wrdreg $0x60  }
0xab: {  	[dreg:$0x2] =	wrdreg s22  }
0xac: {  	[dreg:$0x3] =	wrdreg s0  }
0xad: {  	[dreg:$0x4] =	wrdreg $0x6000  }
0xae: {  	[dreg:$0x5] =	wrdreg $0x7800  }
0xaf: {  	[dreg:$0x6] =	wrdreg $0x9  }
0xb0: {  	_ =	task.clear_ibuf [dreg:s5], $0x7FFFF;
	_ =	strace $0x90000046  }
0xb1: {  	s26 =	simm.s32 $0x9;
	_ =	strace $0x80000048  }
0xb2: {  	_ =	swait.ge [sflag:s26], $0x1  }
0xb3: {  	[sflag:s26] =	ssyncadd.s32 $0xFFFFFFFF  }
0xb4: {  	_ =	strace $0x90000048  }
0xb5: {  	_ =	sfence  }
0xb6: {  	s28 =	sld [smem:$0x0];
	_ =	sdelay $0x1  }
0xb7: {  	s29 =	srdreg.scid  }
0xb8: {  	s30 =	sshll.u32 s29, $0xD;
	s31 =	sshrl.u32 s29, $0x2  }
0xb9: {  	s2 =	sand.u32 $0x4000, s30;
	s1 =	sand.u32 $0x1, s29;
	s0 =	sadd.s32 s31, s28  }
0xba: {  	s1 =	sor.u32 s2, s1;
	s0 =	sshll.u32 s0, $0x11  }
0xbb: {  	s0 =	sor.u32 s0, s1  }
0xbc: {  	s0 =	sadd.s32 $0x8F2B, s0  }
0xbd: {  	[sflag:s0] =	ssyncadd.remote.s32 $0x1  }
0xbe: {  	_ =	sfence.sel $0xFFFF  }
0xbf: {  	[dreg:$0x0] =	wrdreg $0xFFFFFFFF;
	(pc) =	sbr.abs _section_cstart, $3  }
0xc0: {  	[dreg:$0x1] =	wrdreg $0xFFFFFFFF  }
0xc1: {  	_ =	task.clear_ibuf [dreg:s5], $0x2FFFF;
	_ =	strace $0x9FFFFFFF  }
0xc2: {  	(tm) =	ssettm $0x7FFFFFFF  }
0xc3: {  	_ =	shalt  }
tec
execute0_lowered:
.L_overlay_start_1:
0x0: {  	(tag) =	ssettag $0x1  }
0x1: {  	s4 =	rddreg [dreg:$0x0]  }
0x2: {  	s2 =	rddreg [dreg:$0x1]  }
0x3: {  	s7 =	rddreg [dreg:$0x2]  }
0x4: {  	s5 =	rddreg [dreg:$0x3];
	s6 =	simm.s32 $0x0;
	s1 =	stileid.u32  }
0x5: {  	[smem:$0x7FF] =	sst s6;
	s9 =	sshll.u32 s1, $0x5  }
0x6: {  	s0 =	rddreg [dreg:$0x4];
	_ =	strace $0x80000047;
	s3 =	sadd.s32 s4, s9  }
0x7: {  	[tilespmem:s6], [sflag:$0x1] =	stream.linear.gather [hbm4b:s3+s6], $0x80, $0x38;
	[tilespmem:$0x900] =	vst v63  }
0x8: {  	s11 =	sshll.u32 s1, $0x8;
	s3 =	simm.s32 $0x1  }
0x9: {  	s12 =	sor.u32 $0x80, s11;
	_ =	swait.ge [sflag:s3], $0x80  }
0xa: {  	s10 =	sshrl.u32 s12, $0x3;
	[sflag:s3] =	ssyncset.done $0x0  }
0xb: {  	s8 =	simm.s32 $0x80;
	s13 =	sadd.s32 s4, s10;
	[sflag:s3] =	ssyncadd.s32 $0xFFFFFF80  }
0xc: {  	[tilespmem:s8], [sflag:$0x1] =	stream.linear.gather [hbm4b:s13+s6], $0x80, $0x38;
	[tilespmem:$0x900] =	vst v63  }
0xd: {  	_ =	swait.ge [sflag:s3], $0x80  }
0xe: {  	s24 =	sadd.s32 $0x200, s4;
	[sflag:s3] =	ssyncset.done $0x0  }
0xf: {  	s14 =	sadd.s32 s24, s9;
	s9 =	simm.s32 $0x100;
	[sflag:s3] =	ssyncadd.s32 $0xFFFFFF80  }
0x10: {  	[tilespmem:s9], [sflag:$0x1] =	stream.linear.gather [hbm4b:s14+s6], $0x80, $0x38;
	[tilespmem:$0x900] =	vst v63  }
0x11: {  	_ =	swait.ge [sflag:s3], $0x80  }
0x12: {  	[sflag:s3] =	ssyncset.done $0x0  }
0x13: {  	s13 =	sadd.s32 s24, s10;
	s10 =	simm.s32 $0x180;
	[sflag:s3] =	ssyncadd.s32 $0xFFFFFF80  }
0x14: {  	[tilespmem:s10], [sflag:$0x1] =	stream.linear.gather [hbm4b:s13+s6], $0x80, $0x38;
	[tilespmem:$0x900] =	vst v63  }
0x15: {  	v0 =	vlaneseq.u32;
	_ =	swait.ge [sflag:s3], $0x80  }
0x16: {  	v1 =	vor.u32 s11, v0;
	[sflag:s3] =	ssyncset.done $0x0  }
0x17: {  	s25 =	sor.u32 $0x10, s11;
	v1 =	vshrl.u32 v1, $0x1;
	v2 =	vor.u32 s12, v0;
	[sflag:s3] =	ssyncadd.s32 $0xFFFFFF80  }
0x18: {  	s26 =	sor.u32 $0x90, s11;
	v3 =	vor.u32 s25, v0;
	v2 =	vshrl.u32 v2, $0x1;
	[tilespmem:$0x200] =	vst v1  }
0x19: {  	s28 =	sor.u32 $0x20, s11;
	v38 =	vor.u32 s26, v0;
	v37 =	vshrl.u32 v3, $0x1;
	[tilespmem:$0x280] =	vst v2  }
0x1a: {  	s29 =	sor.u32 $0xA0, s11;
	v40 =	vor.u32 s28, v0;
	v39 =	vshrl.u32 v38, $0x1;
	[tilespmem:$0x210] =	vst v37  }
0x1b: {  	s30 =	sor.u32 $0x30, s11;
	v42 =	vor.u32 s29, v0;
	v41 =	vshrl.u32 v40, $0x1;
	[tilespmem:$0x290] =	vst v39  }
0x1c: {  	s31 =	sor.u32 $0xB0, s11;
	v44 =	vor.u32 s30, v0;
	v43 =	vshrl.u32 v42, $0x1;
	[tilespmem:$0x220] =	vst v41  }
0x1d: {  	v46 =	vor.u32 s31, v0;
	v45 =	vshrl.u32 v44, $0x1;
	s13 =	sor.u32 $0x40, s11;
	[tilespmem:$0x2A0] =	vst v43  }
0x1e: {  	v47 =	vshrl.u32 v46, $0x1;
	s14 =	sor.u32 $0xC0, s11;
	v48 =	vor.u32 s13, v0;
	[tilespmem:$0x230] =	vst v45  }
0x1f: {  	s15 =	sor.u32 $0x50, s11;
	v50 =	vor.u32 s14, v0;
	v49 =	vshrl.u32 v48, $0x1;
	[tilespmem:$0x2B0] =	vst v47  }
0x20: {  	s16 =	sor.u32 $0xD0, s11;
	v52 =	vor.u32 s15, v0;
	v51 =	vshrl.u32 v50, $0x1;
	[tilespmem:$0x240] =	vst v49  }
0x21: {  	s17 =	sor.u32 $0x60, s11;
	v54 =	vor.u32 s16, v0;
	v53 =	vshrl.u32 v52, $0x1;
	[tilespmem:$0x2C0] =	vst v51  }
0x22: {  	s18 =	sor.u32 $0xE0, s11;
	v56 =	vor.u32 s17, v0;
	v55 =	vshrl.u32 v54, $0x1;
	[tilespmem:$0x250] =	vst v53  }
0x23: {  	s19 =	sor.u32 $0x70, s11;
	v58 =	vor.u32 s18, v0;
	v57 =	vshrl.u32 v56, $0x1;
	[tilespmem:$0x2D0] =	vst v55  }
0x24: {  	v60 =	vor.u32 s19, v0;
	v59 =	vshrl.u32 v58, $0x1;
	s11 =	sor.u32 $0xF0, s11;
	[tilespmem:$0x260] =	vst v57  }
0x25: {  	v61 =	vshrl.u32 v60, $0x1;
	v0 =	vor.u32 s11, v0;
	[tilespmem:$0x2E0] =	vst v59  }
0x26: {  	v0 =	vshrl.u32 v0, $0x1;
	[tilespmem:$0x270] =	vst v61  }
0x27: {  	v62 =	vimm.s32 $0x0;
	[tilespmem:$0x2F0] =	vst v0  }
0x28: {  	v63 =	vimm.f32 $0.0e+00;
	[tilespmem:$0x300] =	vst v62  }
0x29: {  	[tilespmem:$0x480] =	vst v63  }
0x2a: {  	[tilespmem:$0x310] =	vst v62  }
0x2b: {  	[tilespmem:$0x490] =	vst v63  }
0x2c: {  	[tilespmem:$0x320] =	vst v62  }
0x2d: {  	[tilespmem:$0x4A0] =	vst v63  }
0x2e: {  	[tilespmem:$0x330] =	vst v62  }
0x2f: {  	[tilespmem:$0x4B0] =	vst v63  }
0x30: {  	[tilespmem:$0x340] =	vst v62  }
0x31: {  	[tilespmem:$0x4C0] =	vst v63  }
0x32: {  	[tilespmem:$0x350] =	vst v62  }
0x33: {  	[tilespmem:$0x4D0] =	vst v63  }
0x34: {  	[tilespmem:$0x360] =	vst v62  }
0x35: {  	[tilespmem:$0x4E0] =	vst v63  }
0x36: {  	[tilespmem:$0x370] =	vst v62  }
0x37: {  	[tilespmem:$0x4F0] =	vst v63  }
0x38: {  	[tilespmem:$0x380] =	vst v62  }
0x39: {  	[tilespmem:$0x500] =	vst v63  }
0x3a: {  	[tilespmem:$0x390] =	vst v62  }
0x3b: {  	[tilespmem:$0x510] =	vst v63  }
0x3c: {  	[tilespmem:$0x3A0] =	vst v62  }
0x3d: {  	[tilespmem:$0x520] =	vst v63  }
0x3e: {  	[tilespmem:$0x3B0] =	vst v62  }
0x3f: {  	[tilespmem:$0x530] =	vst v63  }
0x40: {  	[tilespmem:$0x3C0] =	vst v62  }
0x41: {  	[tilespmem:$0x540] =	vst v63  }
0x42: {  	[tilespmem:$0x3D0] =	vst v62  }
0x43: {  	[tilespmem:$0x550] =	vst v63  }
0x44: {  	[tilespmem:$0x3E0] =	vst v62  }
0x45: {  	[tilespmem:$0x560] =	vst v63  }
0x46: {  	[tilespmem:$0x3F0] =	vst v62  }
0x47: {  	[tilespmem:$0x570] =	vst v63  }
0x48: {  	[tilespmem:$0x400] =	vst v62  }
0x49: {  	[tilespmem:$0x580] =	vst v63  }
0x4a: {  	[tilespmem:$0x410] =	vst v62  }
0x4b: {  	[tilespmem:$0x590] =	vst v63  }
0x4c: {  	[tilespmem:$0x420] =	vst v62  }
0x4d: {  	[tilespmem:$0x5A0] =	vst v63  }
0x4e: {  	[tilespmem:$0x430] =	vst v62  }
0x4f: {  	[tilespmem:$0x5B0] =	vst v63  }
0x50: {  	[tilespmem:$0x440] =	vst v62  }
0x51: {  	[tilespmem:$0x5C0] =	vst v63  }
0x52: {  	[tilespmem:$0x450] =	vst v62  }
0x53: {  	[tilespmem:$0x5D0] =	vst v63  }
0x54: {  	[tilespmem:$0x460] =	vst v62  }
0x55: {  	s20 =	smul.u32 $0x180, s1;
	[tilespmem:$0x5E0] =	vst v63  }
0x56: {  	[tilespmem:$0x470] =	vst v62  }
0x57: {  	s22 =	simm.s32 $0x300;
	s21 =	sadd.s32 s20, s7;
	[tilespmem:$0x5F0] =	vst v63  }
0x58: {  	[spmem:s21] =	stream.linear.scatter [tilespmem:s22], [sflag:$0x1], $0x180, $0x38;
	[tilespmem:$0x900] =	vst v63  }
0x59: {  	_ =	swait.ge [sflag:s3], $0x180  }
0x5a: {  	[sflag:s3] =	ssyncset.done $0x0  }
0x5b: {  	s23 =	sadd.s32 s20, s5;
	s24 =	simm.s32 $0x480;
	[sflag:s3] =	ssyncadd.s32 $0xFFFFFE80  }
0x5c: {  	[spmem:s23] =	stream.linear.scatter [tilespmem:s24], [sflag:$0x1], $0x180, $0x38;
	[tilespmem:$0x900] =	vst v63  }
0x5d: {  	_ =	swait.ge [sflag:s3], $0x180  }
0x5e: {  	[sflag:s3] =	ssyncset.done $0x0  }
0x5f: {  	[sflag:s3] =	ssyncadd.s32 $0xFFFFFE80  }
0x60: {  	s25 =	simm.s32 $0x200;
	[bflag:$0x0] =	sbarrier.arrive $0xFFFF  }
0x61: {  	[spmem:s7] =	stream.indirect.scatter.add.s32 [tilespmem:s25], [sflag:$0x1], $0x1, s6, s8, $0xb8;
	[tilespmem:$0x900] =	vst v63  }
0x62: {  	_ =	swait.ge [sflag:s3], $0x80  }
0x63: {  	[sflag:s3] =	ssyncset.done $0x0  }
0x64: {  	s26 =	simm.s32 $0x280;
	[sflag:s3] =	ssyncadd.s32 $0xFFFFFF80  }
0x65: {  	[spmem:s7] =	stream.indirect.scatter.add.s32 [tilespmem:s26], [sflag:$0x1], $0x1, s8, s8, $0xb8;
	[tilespmem:$0x900] =	vst v63  }
0x66: {  	_ =	swait.ge [sflag:s3], $0x80  }
0x67: {  	[sflag:s3] =	ssyncset.done $0x0  }
0x68: {  	[sflag:s3] =	ssyncadd.s32 $0xFFFFFF80  }
0x69: {  	[spmem:s5] =	stream.indirect.scatter.add.f32 [tilespmem:s9], [sflag:$0x1], $0x1, s6, s8, $0xb8;
	[tilespmem:$0x900] =	vst v63  }
0x6a: {  	_ =	swait.ge [sflag:s3], $0x80  }
0x6b: {  	[sflag:s3] =	ssyncset.done $0x0  }
0x6c: {  	[sflag:s3] =	ssyncadd.s32 $0xFFFFFF80  }
0x6d: {  	[spmem:s5] =	stream.indirect.scatter.add.f32 [tilespmem:s10], [sflag:$0x1], $0x1, s8, s8, $0xb8;
	[tilespmem:$0x900] =	vst v63  }
0x6e: {  	_ =	swait.ge [sflag:s3], $0x80  }
0x6f: {  	s28 =	sshrl.u32 s20, $0x3;
	s29 =	sshll.u32 s1, $0x6;
	[sflag:s3] =	ssyncset.done $0x0  }
0x70: {  	s4 =	sadd.s32 s28, s4;
	s30 =	sshrl.u32 s21, $0x3;
	[sflag:s3] =	ssyncadd.s32 $0xFFFFFF80  }
0x71: {  	s4 =	sadd.s32 $0x400, s4;
	s6 =	sor.u32 $0x1C01, s29;
	[bflag:$0x0] =	sbarrier.arrive $0xFFFF  }
0x72: {  	[hbm:s4], [sflag:s6] =	dma.local [spmem:s30], $0x30  }
0x73: {  	_ =	swait.ge [sflag:s3], $0x30  }
0x74: {  	[sflag:s3] =	ssyncset.done $0x0  }
0x75: {  	s2 =	sadd.s32 s2, s28;
	s31 =	sshrl.u32 s23, $0x3;
	[sflag:s3] =	ssyncadd.s32 $0xFFFFFFD0  }
0x76: {  	[hbm:s2], [sflag:s6] =	dma.local [spmem:s31], $0x30  }
0x77: {  	_ =	swait.ge [sflag:s3], $0x30  }
0x78: {  	[sflag:s3] =	ssyncset.done $0x0  }
0x79: {  	[sflag:s3] =	ssyncadd.s32 $0xFFFFFFD0  }
0x7a: {  	_ =	sfence.sel $0x180000  }
0x7b: {  	[bflag:$0x0] =	sbarrier.arrive $0xFFFF  }
0x7c: {  	p0 =	sne.s32 s1, $0x0;
	_ =	strace $0x90000047  }
0x7d: {  	s0 =	sadd.s32 @!p0 $0x100000, s0;
	[bflag:$0x2] =	sbarrier.arrive $0xFFFF  }
0x7e: {  	[sflag:s0] =	ssyncadd.tile.s32 @!p0 $0x1;
	_ =	shalt  }
.Lfunc_end2:
_tile_overlayer_lowered:
.L_overlay_start_2:
0x7f: {  	(tag) =	ssettag $0x2  }
0x80: {  	s0 =	rddreg [dreg:$0x0];
	s2 =	stileid.u32  }
0x81: {  	s1 =	rddreg [dreg:$0x1];
	p0 =	sne.s32 s2, $0x0  }
0x82: {  	s3 =	rddreg [dreg:$0x2];
	[bflag:$0x3] =	sbarrier.arrive $0xFFFF;
	s2 =	simm.s32 @!p0 $0x1C01  }
0x83: {  	[timem:s3], [sflag:s2] =	dma.local @!p0 [hbm:s0], s1  }
0x84: {  	s0 =	simm.s32 @!p0 $0x1  }
0x85: {  	_ =	swait.ge @!p0 [sflag:s0], s1  }
0x86: {  	s1 =	ssub.s32 @!p0 $0x0, s1;
	[sflag:s0] =	ssyncset.done @!p0 $0x0  }
0x87: {  	[sflag:s0] =	ssyncadd.s32 @!p0 s1  }
0x88: {  	[bflag:$0x3] =	sbarrier.arrive $0xFFFF  }
0x89: {  	_ =	shalt  }

</sc_bundles>
